<compile_context>
chip_gen: v7x
topology: tpu7x:2x2x1
jax: 0.10.2.dev20260603
libtpu: 0.0.44.dev20260713+nightly
codegen_flags: <defaults>
</compile_context>

<pallas_src>
import functools

import jax
import jax.numpy as jnp
from jax import lax
from jax.experimental import pallas as pl
from jax.experimental.pallas import tpu as pltpu
from jax.experimental.pallas import tpu_sc as plsc

_N = 10000
_NP = 10240
_E = 320000
_D_IN, _HID, _D_OUT = 128, 64, 32
_T = 128

_NC, _NS = 2, 16
_NW = _NC * _NS
_CH = 64
_K = 158
_KP = 79
_CHW = 128
_EP = _NW * _K * _CH
_RPS = _NP // _NS

_BLK = 256
_HI = jax.lax.Precision.HIGHEST


def _mm1_body(x_ref, w_ref, tab_ref, r_ref):
    m = jnp.dot(x_ref[...], w_ref[...], preferred_element_type=jnp.float32,
                precision=_HI)
    lane = lax.broadcasted_iota(jnp.int32, (_BLK, _T - _HID), 1)
    ones = jnp.where(lane == 0, 1.0, 0.0).astype(jnp.float32)
    tab_ref[...] = jnp.concatenate([m[:, :_HID], ones], axis=1)
    r_ref[...] = m[:, _HID:]


def _mid_body(acc_ref, r1_ref, b1_ref, w2_ref, tab2_ref, r2_ref, ci_ref):
    acc = acc_ref[0] + acc_ref[1]
    cnt_inv = 1.0 / jnp.maximum(acc[:, _HID:_HID + 1], 1.0)
    h = jnp.maximum(acc[:, :_HID] * cnt_inv + b1_ref[0] + r1_ref[...], 0.0)
    m = jnp.dot(h, w2_ref[...], preferred_element_type=jnp.float32,
                precision=_HI)
    zeros = jnp.zeros((_BLK, _T - _D_OUT), jnp.float32)
    tab2_ref[...] = jnp.concatenate([m[:, :_D_OUT], zeros], axis=1)
    r2_ref[...] = m[:, _D_OUT:]
    ci_ref[...] = jnp.broadcast_to(cnt_inv, (_BLK, 8))


def _out_body(acc_ref, r2_ref, b2_ref, ci_ref, o_ref):
    acc = acc_ref[0, :, :_D_OUT] + acc_ref[1, :, :_D_OUT]
    o_ref[...] = jnp.maximum(acc * ci_ref[:, :1] + b2_ref[0] + r2_ref[...],
                             0.0)


def _sc_segsum(table, eidx, zeros):
    mesh = plsc.VectorSubcoreMesh(core_axis_name="c", subcore_axis_name="s")

    @functools.partial(
        pl.kernel, mesh=mesh,
        out_type=jax.ShapeDtypeStruct((_NC, _NP, _T), jnp.float32),
        scratch_types=[
            pltpu.VMEM_SHARED((_NP, _T), jnp.float32),
            pltpu.SemaphoreType.DMA,
            pltpu.SemaphoreType.DMA,
            pltpu.SemaphoreType.DMA,
        ],
    )
    def k(tab_hbm, eidx_hbm, z_hbm, out_hbm, acc_sh, sem0, sem1, sem2):
        cid = lax.axis_index("c")
        sid = lax.axis_index("s")
        wid = sid * _NC + cid
        row0 = sid * _RPS

        pltpu.sync_copy(z_hbm.at[pl.ds(row0, _RPS)],
                        acc_sh.at[pl.ds(row0, _RPS)])
        plsc.subcore_barrier()

        def body(idx_v, buf):
            pltpu.sync_copy(eidx_hbm.at[wid], idx_v)

            def src(j):
                return idx_v.at[j // 2, 0, pl.ds((j % 2) * _CH, _CH)]

            def dst(j):
                return idx_v.at[j // 2, 1, pl.ds((j % 2) * _CH, _CH)]

            pltpu.async_copy(tab_hbm.at[src(0)], buf.at[0], sem0)
            pltpu.async_copy(tab_hbm.at[src(1)], buf.at[1], sem1)
            pltpu.async_copy(tab_hbm.at[src(2)], buf.at[2], sem2)

            @pl.loop(0, _K)
            def _(j):
                b = j % 3

                @pl.when(b == 0)
                def _():
                    pltpu.make_async_copy(tab_hbm.at[src(j)],
                                          buf.at[0], sem0).wait()

                @pl.when(b == 1)
                def _():
                    pltpu.make_async_copy(tab_hbm.at[src(j)],
                                          buf.at[1], sem1).wait()

                @pl.when(b == 2)
                def _():
                    pltpu.make_async_copy(tab_hbm.at[src(j)],
                                          buf.at[2], sem2).wait()

                pltpu.sync_copy(buf.at[b], acc_sh.at[dst(j)], add=True)

                @pl.when((j + 3 < _K) & (b == 0))
                def _():
                    pltpu.async_copy(tab_hbm.at[src(j + 3)], buf.at[0], sem0)

                @pl.when((j + 3 < _K) & (b == 1))
                def _():
                    pltpu.async_copy(tab_hbm.at[src(j + 3)], buf.at[1], sem1)

                @pl.when((j + 3 < _K) & (b == 2))
                def _():
                    pltpu.async_copy(tab_hbm.at[src(j + 3)], buf.at[2], sem2)

        pl.run_scoped(body,
                      pltpu.VMEM((_KP, 2, _CHW), jnp.int32),
                      pltpu.VMEM((3, _CH, _T), jnp.float32))
        plsc.subcore_barrier()
        pltpu.sync_copy(acc_sh.at[pl.ds(row0, _RPS)],
                        out_hbm.at[cid, pl.ds(row0, _RPS)])

    return k(table, eidx, zeros)


def _sc_segsum_staged(table, eidx, zeros, d):
    mesh = plsc.VectorSubcoreMesh(core_axis_name="c", subcore_axis_name="s")

    @functools.partial(
        pl.kernel, mesh=mesh,
        out_type=jax.ShapeDtypeStruct((_NC, _NP, d), jnp.float32),
        scratch_types=[
            pltpu.VMEM_SHARED((_NP, d), jnp.float32),
            pltpu.VMEM_SHARED((_NP, d), jnp.float32),
        ],
    )
    def k(tab_hbm, eidx_hbm, z_hbm, out_hbm, acc_sh, tab_sh):
        cid = lax.axis_index("c")
        sid = lax.axis_index("s")
        wid = sid * _NC + cid
        row0 = sid * _RPS
        pltpu.sync_copy(z_hbm.at[pl.ds(row0, _RPS)],
                        acc_sh.at[pl.ds(row0, _RPS)])
        pltpu.sync_copy(tab_hbm.at[pl.ds(row0, _RPS)],
                        tab_sh.at[pl.ds(row0, _RPS)])
        plsc.subcore_barrier()

        def body(idx_v, buf):
            pltpu.sync_copy(eidx_hbm.at[wid], idx_v)

            @pl.loop(0, _K)
            def _(j):
                pltpu.sync_copy(tab_sh.at[idx_v.at[j, 0]], buf)
                pltpu.sync_copy(buf, acc_sh.at[idx_v.at[j, 1]], add=True)

        pl.run_scoped(body,
                      pltpu.VMEM((_K, 2, _CH), jnp.int32),
                      pltpu.VMEM((_CH, d), jnp.float32))
        plsc.subcore_barrier()
        pltpu.sync_copy(acc_sh.at[pl.ds(row0, _RPS)],
                        out_hbm.at[cid, pl.ds(row0, _RPS)])

    return k(table, eidx, zeros)


def kernel(x, edge_index, Wl1, bl1, Wr1, Wl2, bl2, Wr2):
    xp = jnp.pad(x, ((0, _NP - _N), (0, 0)))
    w1c = jnp.concatenate([Wl1.T, Wr1.T], axis=1)
    w2c = jnp.concatenate([Wl2.T, Wr2.T], axis=1)
    b1 = bl1.reshape(1, _HID)
    b2 = bl2.reshape(1, _D_OUT)
    pad_idx = (_N + jnp.arange(_EP - _E, dtype=jnp.int32) % (_NP - _N))
    pad_idx = jnp.broadcast_to(pad_idx, (2, _EP - _E))
    eidx = jnp.concatenate([edge_index, pad_idx], axis=1)
    eidx = eidx.reshape(2, _NW, _KP, _CHW)
    eidx = jnp.transpose(eidx, (1, 2, 0, 3))
    z = jnp.zeros((_NP, _T), jnp.float32)

    tab1, r1 = pl.pallas_call(
        _mm1_body,
        grid=(_NP // _BLK,),
        in_specs=[pl.BlockSpec((_BLK, _D_IN), lambda i: (i, 0)),
                  pl.BlockSpec((_D_IN, 2 * _HID), lambda i: (0, 0))],
        out_specs=[pl.BlockSpec((_BLK, _T), lambda i: (i, 0)),
                   pl.BlockSpec((_BLK, _HID), lambda i: (i, 0))],
        out_shape=[jax.ShapeDtypeStruct((_NP, _T), jnp.float32),
                   jax.ShapeDtypeStruct((_NP, _HID), jnp.float32)],
    )(xp, w1c)

    acc1 = _sc_segsum(tab1, eidx, z)

    tab2, r2, ci = pl.pallas_call(
        _mid_body,
        grid=(_NP // _BLK,),
        in_specs=[pl.BlockSpec((_NC, _BLK, _T), lambda i: (0, i, 0)),
                  pl.BlockSpec((_BLK, _HID), lambda i: (i, 0)),
                  pl.BlockSpec((1, _HID), lambda i: (0, 0)),
                  pl.BlockSpec((_HID, 2 * _D_OUT), lambda i: (0, 0))],
        out_specs=[pl.BlockSpec((_BLK, _T), lambda i: (i, 0)),
                   pl.BlockSpec((_BLK, _D_OUT), lambda i: (i, 0)),
                   pl.BlockSpec((_BLK, 8), lambda i: (i, 0))],
        out_shape=[jax.ShapeDtypeStruct((_NP, _T), jnp.float32),
                   jax.ShapeDtypeStruct((_NP, _D_OUT), jnp.float32),
                   jax.ShapeDtypeStruct((_NP, 8), jnp.float32)],
    )(acc1, r1, b1, w2c)

    acc2 = _sc_segsum(tab2, eidx, z)

    out = pl.pallas_call(
        _out_body,
        grid=(_NP // _BLK,),
        in_specs=[pl.BlockSpec((_NC, _BLK, _T), lambda i: (0, i, 0)),
                  pl.BlockSpec((_BLK, _D_OUT), lambda i: (i, 0)),
                  pl.BlockSpec((1, _D_OUT), lambda i: (0, 0)),
                  pl.BlockSpec((_BLK, 8), lambda i: (i, 0))],
        out_specs=pl.BlockSpec((_BLK, _D_OUT), lambda i: (i, 0)),
        out_shape=jax.ShapeDtypeStruct((_NP, _D_OUT), jnp.float32),
    )(acc2, r2, b2, ci)

    return out[:_N]

# --- scband reference (transcript-rebuilt; emitter-appended) ---
"""Pipeline reference for scband-gnnencoder-87797721465342 (READ-ONLY COPY).

The authoritative reference and input builder live on the scoring server;
editing this copy changes nothing except your own understanding.
"""

import jax, jax.numpy as jnp
import numpy as np

N = 10000
E = 320000
D_IN = 128
HID = 64
D_OUT = 32


def setup_inputs(seed: int = 0) -> dict:
    key = jax.random.key(seed)
    ks = jax.random.split(key, 9)
    x = jax.random.normal(ks[0], (N, D_IN), dtype=jnp.float32)
    edge_index = jax.random.randint(ks[1], (2, E), 0, N, dtype=jnp.int32)
    # SAGEConv layer 1 params: lin_l (with bias) applied to aggregated neighbors, lin_r (no bias) applied to root
    Wl1 = jax.random.normal(ks[2], (HID, D_IN), dtype=jnp.float32) * (1.0 / np.sqrt(D_IN))
    bl1 = jnp.zeros((HID,), dtype=jnp.float32)
    Wr1 = jax.random.normal(ks[3], (HID, D_IN), dtype=jnp.float32) * (1.0 / np.sqrt(D_IN))
    # SAGEConv layer 2 params
    Wl2 = jax.random.normal(ks[4], (D_OUT, HID), dtype=jnp.float32) * (1.0 / np.sqrt(HID))
    bl2 = jnp.zeros((D_OUT,), dtype=jnp.float32)
    Wr2 = jax.random.normal(ks[5], (D_OUT, HID), dtype=jnp.float32) * (1.0 / np.sqrt(HID))
    return {"x": x, "edge_index": edge_index, "Wl1": Wl1, "bl1": bl1, "Wr1": Wr1,
            "Wl2": Wl2, "bl2": bl2, "Wr2": Wr2}


def _sage_conv(h, edge_index, Wl, bl, Wr):
    # PyG SAGEConv with mean aggregation:
    # out = lin_l(mean_{j in N(i)} x_j) + lin_r(x_i)
    src = edge_index[0]
    dst = edge_index[1]
    msgs = h[src]  # gather: [E, d]
    agg = jax.ops.segment_sum(msgs, dst, num_segments=N)  # scatter-add: [N, d]
    cnt = jax.ops.segment_sum(jnp.ones((E,), dtype=h.dtype), dst, num_segments=N)
    mean = agg / jnp.clip(cnt, 1.0)[:, None]
    return mean @ Wl.T + bl + h @ Wr.T


def reference(x, edge_index, Wl1, bl1, Wr1, Wl2, bl2, Wr2):
    h = jax.nn.relu(_sage_conv(x, edge_index, Wl1, bl1, Wr1))
    h = jax.nn.relu(_sage_conv(h, edge_index, Wl2, bl2, Wr2))
    return h

if __name__ == "__main__":
    import jax
    _d = setup_inputs()
    print(jax.jit(kernel)(*tuple(_d.values())))

</pallas_src>

<mosaic_0001>
#map = affine_map<(d0, d1) -> (0, 0)>
#map1 = affine_map<(d0, d1) -> (0, 0, 0, 0)>
#map2 = affine_map<(d0, d1) -> (0, 0, 0)>
module attributes {stable_mosaic.version = 14 : i64} {
  func.func @k(%arg0: i32, %arg1: i32, %arg2: memref<10240x128xf32, #tpu.memory_space<hbm>>, %arg3: memref<32x79x2x128xi32, #tpu.memory_space<hbm>>, %arg4: memref<10240x128xf32, #tpu.memory_space<hbm>>, %arg5: memref<2x10240x128xf32, #tpu.memory_space<hbm>>, %arg6: memref<10240x128xf32, #tpu.memory_space<vmem_shared>>, %arg7: memref<!tpu.dma_semaphore, #tpu.memory_space<semaphore_mem>>, %arg8: memref<!tpu.dma_semaphore, #tpu.memory_space<semaphore_mem>>, %arg9: memref<!tpu.dma_semaphore, #tpu.memory_space<semaphore_mem>>) attributes {dimension_semantics = [#tpu.dimension_semantics<core_parallel>, #tpu.dimension_semantics<subcore_parallel>], iteration_bounds = array<i64: 2, 16>, scalar_prefetch = 0 : i64, scratch_operands = 4 : i64, tpu.core_type = #tpu.core_type<sc_vector_subcore>, window_params = [{transform_indices = #map}, {transform_indices = #map1}, {transform_indices = #map}, {transform_indices = #map2}]} {
    %mul3A = arith.constant 2 : i32
    %mul3A_0 = arith.muli %arg1, %mul3A : i32
    %add3A = arith.addi %mul3A_0, %arg0 : i32
    %mul3A_1 = arith.constant 640 : i32
    %mul3A_2 = arith.muli %arg1, %mul3A_1 : i32
    "tpu.region"() ({
      %run_scoped3A = tpu.sem_alloc : memref<!tpu.dma_semaphore, #tpu.memory_space<semaphore_mem>>
      %dma_start3A = arith.constant 0 : i32
      %dma_start3A_4 = tpu.memref_slice %arg6[%mul3A_2, %dma_start3A] : memref<10240x128xf32, #tpu.memory_space<vmem_shared>> -> memref<640x128xf32, #tpu.memory_space<vmem_shared>>
      %dma_start3A_5 = arith.constant 0 : i32
      %dma_start3A_6 = tpu.memref_slice %arg4[%mul3A_2, %dma_start3A_5] : memref<10240x128xf32, #tpu.memory_space<hbm>> -> memref<640x128xf32, #tpu.memory_space<hbm>>
      tpu.enqueue_dma source(%dma_start3A_6 : memref<640x128xf32, #tpu.memory_space<hbm>>) target(%dma_start3A_4 : memref<640x128xf32, #tpu.memory_space<vmem_shared>>) target_semaphore(%run_scoped3A : memref<!tpu.dma_semaphore, #tpu.memory_space<semaphore_mem>>)
      %dma_wait3A = arith.constant 0 : i32
      %dma_wait3A_7 = tpu.memref_slice %arg6[%mul3A_2, %dma_wait3A] : memref<10240x128xf32, #tpu.memory_space<vmem_shared>> -> memref<640x128xf32, #tpu.memory_space<vmem_shared>>
      %dma_wait3A_8 = arith.constant 0 : i32
      %dma_wait3A_9 = tpu.memref_slice %arg4[%mul3A_2, %dma_wait3A_8] : memref<10240x128xf32, #tpu.memory_space<hbm>> -> memref<640x128xf32, #tpu.memory_space<hbm>>
      tpu.wait_dma2 semaphore(%run_scoped3A : memref<!tpu.dma_semaphore, #tpu.memory_space<semaphore_mem>>) src(%dma_wait3A_9 : memref<640x128xf32, #tpu.memory_space<hbm>>) dst(%dma_wait3A_7 : memref<640x128xf32, #tpu.memory_space<vmem_shared>>)
      tpu.yield
    }) : () -> ()
    %barrier3A = arith.constant 0 : index
    tpu.barrier barrier_id(%barrier3A)
    "tpu.region"() ({
      %run_scoped3A = memref.alloca() : memref<79x2x128xi32, #tpu.memory_space<vmem>>
      %run_scoped3A_4 = memref.alloca() : memref<3x64x128xf32, #tpu.memory_space<vmem>>
      "tpu.region"() ({
        %run_scoped3A_47 = tpu.sem_alloc : memref<!tpu.dma_semaphore, #tpu.memory_space<semaphore_mem>>
        %dma_start3A_48 = arith.constant 0 : i32
        %dma_start3A_49 = arith.constant 0 : i32
        %dma_start3A_50 = arith.constant 0 : i32
        %dma_start3A_51 = tpu.memref_slice %arg3[%add3A, %dma_start3A_48, %dma_start3A_49, %dma_start3A_50] : memref<32x79x2x128xi32, #tpu.memory_space<hbm>> -> memref<1x79x2x128xi32, #tpu.memory_space<hbm>>
        %dma_start3A_52 = tpu.memref_squeeze %dma_start3A_51 : memref<1x79x2x128xi32, #tpu.memory_space<hbm>> -> memref<79x2x128xi32, #tpu.memory_space<hbm>>
        %dma_start3A_53 = arith.constant 0 : i32
        %dma_start3A_54 = arith.constant 0 : i32
        %dma_start3A_55 = arith.constant 0 : i32
        %dma_start3A_56 = tpu.memref_slice %arg3[%add3A, %dma_start3A_53, %dma_start3A_54, %dma_start3A_55] : memref<32x79x2x128xi32, #tpu.memory_space<hbm>> -> memref<1x79x2x128xi32, #tpu.memory_space<hbm>>
        %dma_start3A_57 = tpu.memref_squeeze %dma_start3A_56 : memref<1x79x2x128xi32, #tpu.memory_space<hbm>> -> memref<79x2x128xi32, #tpu.memory_space<hbm>>
        tpu.enqueue_dma source(%dma_start3A_57 : memref<79x2x128xi32, #tpu.memory_space<hbm>>) target(%run_scoped3A : memref<79x2x128xi32, #tpu.memory_space<vmem>>) target_semaphore(%run_scoped3A_47 : memref<!tpu.dma_semaphore, #tpu.memory_space<semaphore_mem>>)
        %dma_wait3A = arith.constant 0 : i32
        %dma_wait3A_58 = arith.constant 0 : i32
        %dma_wait3A_59 = arith.constant 0 : i32
        %dma_wait3A_60 = tpu.memref_slice %arg3[%add3A, %dma_wait3A, %dma_wait3A_58, %dma_wait3A_59] : memref<32x79x2x128xi32, #tpu.memory_space<hbm>> -> memref<1x79x2x128xi32, #tpu.memory_space<hbm>>
        %dma_wait3A_61 = tpu.memref_squeeze %dma_wait3A_60 : memref<1x79x2x128xi32, #tpu.memory_space<hbm>> -> memref<79x2x128xi32, #tpu.memory_space<hbm>>
        %dma_wait3A_62 = arith.constant 0 : i32
        %dma_wait3A_63 = arith.constant 0 : i32
        %dma_wait3A_64 = arith.constant 0 : i32
        %dma_wait3A_65 = tpu.memref_slice %arg3[%add3A, %dma_wait3A_62, %dma_wait3A_63, %dma_wait3A_64] : memref<32x79x2x128xi32, #tpu.memory_space<hbm>> -> memref<1x79x2x128xi32, #tpu.memory_space<hbm>>
        %dma_wait3A_66 = tpu.memref_squeeze %dma_wait3A_65 : memref<1x79x2x128xi32, #tpu.memory_space<hbm>> -> memref<79x2x128xi32, #tpu.memory_space<hbm>>
        tpu.wait_dma2 semaphore(%run_scoped3A_47 : memref<!tpu.dma_semaphore, #tpu.memory_space<semaphore_mem>>) src(%dma_wait3A_66 : memref<79x2x128xi32, #tpu.memory_space<hbm>>) dst(%run_scoped3A : memref<79x2x128xi32, #tpu.memory_space<vmem>>)
        tpu.yield
      }) : () -> ()
      %dma_start3A = arith.constant 0 : i32
      %dma_start3A_5 = arith.constant 0 : i32
      %dma_start3A_6 = arith.constant 0 : i32
      %dma_start3A_7 = arith.constant 0 : i32
      %dma_start3A_8 = arith.constant 0 : i32
      %dma_start3A_9 = tpu.memref_slice %run_scoped3A_4[%dma_start3A_6, %dma_start3A_7, %dma_start3A_8] : memref<3x64x128xf32, #tpu.memory_space<vmem>> -> memref<1x64x128xf32, #tpu.memory_space<vmem>>
      %dma_start3A_10 = tpu.memref_squeeze %dma_start3A_9 : memref<1x64x128xf32, #tpu.memory_space<vmem>> -> memref<64x128xf32, #tpu.memory_space<vmem>>
      %dma_start3A_11 = arith.constant 0 : i32
      %dma_start3A_12 = tpu.memref_slice %run_scoped3A[%dma_start3A, %dma_start3A_5, %dma_start3A_11] : memref<79x2x128xi32, #tpu.memory_space<vmem>> -> memref<1x1x64xi32, #tpu.memory_space<vmem>>
      %dma_start3A_13 = tpu.memref_squeeze %dma_start3A_12 : memref<1x1x64xi32, #tpu.memory_space<vmem>> -> memref<64xi32, #tpu.memory_space<vmem>>
      %dma_start3A_14 = arith.constant 0 : i32
      %dma_start3A_15 = arith.constant 0 : i32
      %dma_start3A_16 = tpu.memref_slice %arg2[%dma_start3A_14, %dma_start3A_15] : memref<10240x128xf32, #tpu.memory_space<hbm>> -> memref<10240x128xf32, #tpu.memory_space<hbm>>
      tpu.enqueue_indirect_dma source(%dma_start3A_16 : memref<10240x128xf32, #tpu.memory_space<hbm>>) target(%dma_start3A_10 : memref<64x128xf32, #tpu.memory_space<vmem>>) offsets(%dma_start3A_13 : memref<64xi32, #tpu.memory_space<vmem>>) semaphore(%arg7 : memref<!tpu.dma_semaphore, #tpu.memory_space<semaphore_mem>>)
      %dma_start3A_17 = arith.constant 0 : i32
      %dma_start3A_18 = arith.constant 0 : i32
      %dma_start3A_19 = arith.constant 1 : i32
      %dma_start3A_20 = arith.constant 0 : i32
      %dma_start3A_21 = arith.constant 0 : i32
      %dma_start3A_22 = tpu.memref_slice %run_scoped3A_4[%dma_start3A_19, %dma_start3A_20, %dma_start3A_21] : memref<3x64x128xf32, #tpu.memory_space<vmem>> -> memref<1x64x128xf32, #tpu.memory_space<vmem>>
      %dma_start3A_23 = tpu.memref_squeeze %dma_start3A_22 : memref<1x64x128xf32, #tpu.memory_space<vmem>> -> memref<64x128xf32, #tpu.memory_space<vmem>>
      %dma_start3A_24 = arith.constant 64 : i32
      %dma_start3A_25 = tpu.memref_slice %run_scoped3A[%dma_start3A_17, %dma_start3A_18, %dma_start3A_24] : memref<79x2x128xi32, #tpu.memory_space<vmem>> -> memref<1x1x64xi32, #tpu.memory_space<vmem>>
      %dma_start3A_26 = tpu.memref_squeeze %dma_start3A_25 : memref<1x1x64xi32, #tpu.memory_space<vmem>> -> memref<64xi32, #tpu.memory_space<vmem>>
      %dma_start3A_27 = arith.constant 0 : i32
      %dma_start3A_28 = arith.constant 0 : i32
      %dma_start3A_29 = tpu.memref_slice %arg2[%dma_start3A_27, %dma_start3A_28] : memref<10240x128xf32, #tpu.memory_space<hbm>> -> memref<10240x128xf32, #tpu.memory_space<hbm>>
      tpu.enqueue_indirect_dma source(%dma_start3A_29 : memref<10240x128xf32, #tpu.memory_space<hbm>>) target(%dma_start3A_23 : memref<64x128xf32, #tpu.memory_space<vmem>>) offsets(%dma_start3A_26 : memref<64xi32, #tpu.memory_space<vmem>>) semaphore(%arg8 : memref<!tpu.dma_semaphore, #tpu.memory_space<semaphore_mem>>)
      %dma_start3A_30 = arith.constant 1 : i32
      %dma_start3A_31 = arith.constant 0 : i32
      %dma_start3A_32 = arith.constant 2 : i32
      %dma_start3A_33 = arith.constant 0 : i32
      %dma_start3A_34 = arith.constant 0 : i32
      %dma_start3A_35 = tpu.memref_slice %run_scoped3A_4[%dma_start3A_32, %dma_start3A_33, %dma_start3A_34] : memref<3x64x128xf32, #tpu.memory_space<vmem>> -> memref<1x64x128xf32, #tpu.memory_space<vmem>>
      %dma_start3A_36 = tpu.memref_squeeze %dma_start3A_35 : memref<1x64x128xf32, #tpu.memory_space<vmem>> -> memref<64x128xf32, #tpu.memory_space<vmem>>
      %dma_start3A_37 = arith.constant 0 : i32
      %dma_start3A_38 = tpu.memref_slice %run_scoped3A[%dma_start3A_30, %dma_start3A_31, %dma_start3A_37] : memref<79x2x128xi32, #tpu.memory_space<vmem>> -> memref<1x1x64xi32, #tpu.memory_space<vmem>>
      %dma_start3A_39 = tpu.memref_squeeze %dma_start3A_38 : memref<1x1x64xi32, #tpu.memory_space<vmem>> -> memref<64xi32, #tpu.memory_space<vmem>>
      %dma_start3A_40 = arith.constant 0 : i32
      %dma_start3A_41 = arith.constant 0 : i32
      %dma_start3A_42 = tpu.memref_slice %arg2[%dma_start3A_40, %dma_start3A_41] : memref<10240x128xf32, #tpu.memory_space<hbm>> -> memref<10240x128xf32, #tpu.memory_space<hbm>>
      tpu.enqueue_indirect_dma source(%dma_start3A_42 : memref<10240x128xf32, #tpu.memory_space<hbm>>) target(%dma_start3A_36 : memref<64x128xf32, #tpu.memory_space<vmem>>) offsets(%dma_start3A_39 : memref<64xi32, #tpu.memory_space<vmem>>) semaphore(%arg9 : memref<!tpu.dma_semaphore, #tpu.memory_space<semaphore_mem>>)
      %scan3A = arith.constant 0 : i32
      %scan3A_43 = arith.constant 158 : i32
      %scan3A_44 = arith.addi %scan3A, %scan3A_43 : i32
      %scan3A_45 = arith.constant 1 : i32
      scf.for %scan3A_47 = %scan3A to %scan3A_44 step %scan3A_45  : i32 {
        %mul3A_48 = arith.constant 1 : i32
        %mul3A_49 = arith.muli %scan3A_47, %mul3A_48 : i32
        %add3A_50 = arith.constant 0 : i32
        %add3A_51 = arith.addi %add3A_50, %mul3A_49 : i32
        %jit3A = arith.constant 3 : i32
        %eq3A = arith.constant 0 : i32
        %eq3A_52 = arith.cmpi eq, %jit3A, %eq3A : i32
        %jit3A_53 = arith.constant 1 : i32
        %select_n3A = arith.select %eq3A_52, %jit3A_53, %jit3A : i32
        %rem3A = arith.remsi %add3A_51, %select_n3A : i32
        %ne3A = arith.constant 0 : i32
        %ne3A_54 = arith.cmpi ne, %rem3A, %ne3A : i32
        %lt3A = arith.constant 0 : i32
        %lt3A_55 = arith.cmpi slt, %rem3A, %lt3A : i32
        %lt3A_56 = arith.constant 0 : i32
        %lt3A_57 = arith.cmpi slt, %select_n3A, %lt3A_56 : i32
        %ne3A_58 = arith.xori %lt3A_55, %lt3A_57 : i1
        %and3A = arith.andi %ne3A_58, %ne3A_54 : i1
        %add3A_59 = arith.addi %rem3A, %select_n3A : i32
        %select_n3A_60 = arith.select %and3A, %add3A_59, %rem3A : i32
        %eq3A_61 = arith.constant 0 : i32
        %eq3A_62 = arith.cmpi eq, %select_n3A_60, %eq3A_61 : i32
        %convert_element_type3A = arith.extui %eq3A_62 : i1 to i32
        %cond3A = arith.constant 0 : i32
        %cond3A_63 = arith.cmpi ne, %convert_element_type3A, %cond3A : i32
        scf.if %cond3A_63 {
          %jit3A_144 = arith.constant 2 : i32
          %div3A_145 = arith.divsi %add3A_51, %jit3A_144 : i32
          %sign3A_146 = arith.constant 0 : i32
          %sign3A_147 = arith.cmpi sgt, %add3A_51, %sign3A_146 : i32
          %sign3A_148 = arith.extui %sign3A_147 : i1 to i32
          %sign3A_149 = arith.constant 0 : i32
          %sign3A_150 = arith.cmpi slt, %add3A_51, %sign3A_149 : i32
          %sign3A_151 = arith.extui %sign3A_150 : i1 to i32
          %sign3A_152 = arith.subi %sign3A_148, %sign3A_151 : i32
          %sign3A_153 = arith.constant 0 : i32
          %sign3A_154 = arith.cmpi sgt, %jit3A_144, %sign3A_153 : i32
          %sign3A_155 = arith.extui %sign3A_154 : i1 to i32
          %sign3A_156 = arith.constant 0 : i32
          %sign3A_157 = arith.cmpi slt, %jit3A_144, %sign3A_156 : i32
          %sign3A_158 = arith.extui %sign3A_157 : i1 to i32
          %sign3A_159 = arith.subi %sign3A_155, %sign3A_158 : i32
          %ne3A_160 = arith.cmpi ne, %sign3A_152, %sign3A_159 : i32
          %rem3A_161 = arith.remsi %add3A_51, %jit3A_144 : i32
          %ne3A_162 = arith.constant 0 : i32
          %ne3A_163 = arith.cmpi ne, %rem3A_161, %ne3A_162 : i32
          %and3A_164 = arith.andi %ne3A_160, %ne3A_163 : i1
          %sub3A_165 = arith.constant 1 : i32
          %sub3A_166 = arith.subi %div3A_145, %sub3A_165 : i32
          %select_n3A_167 = arith.select %and3A_164, %sub3A_166, %div3A_145 : i32
          %jit3A_168 = arith.constant 2 : i32
          %eq3A_169 = arith.constant 0 : i32
          %eq3A_170 = arith.cmpi eq, %jit3A_168, %eq3A_169 : i32
          %jit3A_171 = arith.constant 1 : i32
          %select_n3A_172 = arith.select %eq3A_170, %jit3A_171, %jit3A_168 : i32
          %rem3A_173 = arith.remsi %add3A_51, %select_n3A_172 : i32
          %ne3A_174 = arith.constant 0 : i32
          %ne3A_175 = arith.cmpi ne, %rem3A_173, %ne3A_174 : i32
          %lt3A_176 = arith.constant 0 : i32
          %lt3A_177 = arith.cmpi slt, %rem3A_173, %lt3A_176 : i32
          %lt3A_178 = arith.constant 0 : i32
          %lt3A_179 = arith.cmpi slt, %select_n3A_172, %lt3A_178 : i32
          %ne3A_180 = arith.xori %lt3A_177, %lt3A_179 : i1
          %and3A_181 = arith.andi %ne3A_180, %ne3A_175 : i1
          %add3A_182 = arith.addi %rem3A_173, %select_n3A_172 : i32
          %select_n3A_183 = arith.select %and3A_181, %add3A_182, %rem3A_173 : i32
          %mul3A_184 = arith.constant 64 : i32
          %mul3A_185 = arith.muli %select_n3A_183, %mul3A_184 : i32
          %dma_wait3A = arith.constant 0 : i32
          %dma_wait3A_186 = arith.constant 0 : i32
          %dma_wait3A_187 = arith.constant 0 : i32
          %dma_wait3A_188 = arith.constant 0 : i32
          %dma_wait3A_189 = tpu.memref_slice %run_scoped3A_4[%dma_wait3A_186, %dma_wait3A_187, %dma_wait3A_188] : memref<3x64x128xf32, #tpu.memory_space<vmem>> -> memref<1x64x128xf32, #tpu.memory_space<vmem>>
          %dma_wait3A_190 = tpu.memref_squeeze %dma_wait3A_189 : memref<1x64x128xf32, #tpu.memory_space<vmem>> -> memref<64x128xf32, #tpu.memory_space<vmem>>
          %dma_wait3A_191 = tpu.memref_slice %run_scoped3A[%select_n3A_167, %dma_wait3A, %mul3A_185] : memref<79x2x128xi32, #tpu.memory_space<vmem>> -> memref<1x1x64xi32, #tpu.memory_space<vmem>>
          %dma_wait3A_192 = tpu.memref_squeeze %dma_wait3A_191 : memref<1x1x64xi32, #tpu.memory_space<vmem>> -> memref<64xi32, #tpu.memory_space<vmem>>
          %dma_wait3A_193 = arith.constant 0 : i32
          %dma_wait3A_194 = arith.constant 0 : i32
          %dma_wait3A_195 = tpu.memref_slice %arg2[%dma_wait3A_193, %dma_wait3A_194] : memref<10240x128xf32, #tpu.memory_space<hbm>> -> memref<10240x128xf32, #tpu.memory_space<hbm>>
          tpu.wait_indirect_dma semaphore(%arg7 : memref<!tpu.dma_semaphore, #tpu.memory_space<semaphore_mem>>) src(%dma_wait3A_195 : memref<10240x128xf32, #tpu.memory_space<hbm>>) dst(%dma_wait3A_190 : memref<64x128xf32, #tpu.memory_space<vmem>>)
        } else {
        }
        %eq3A_64 = arith.constant 1 : i32
        %eq3A_65 = arith.cmpi eq, %select_n3A_60, %eq3A_64 : i32
        %convert_element_type3A_66 = arith.extui %eq3A_65 : i1 to i32
        %cond3A_67 = arith.constant 0 : i32
        %cond3A_68 = arith.cmpi ne, %convert_element_type3A_66, %cond3A_67 : i32
        scf.if %cond3A_68 {
          %jit3A_144 = arith.constant 2 : i32
          %div3A_145 = arith.divsi %add3A_51, %jit3A_144 : i32
          %sign3A_146 = arith.constant 0 : i32
          %sign3A_147 = arith.cmpi sgt, %add3A_51, %sign3A_146 : i32
          %sign3A_148 = arith.extui %sign3A_147 : i1 to i32
          %sign3A_149 = arith.constant 0 : i32
          %sign3A_150 = arith.cmpi slt, %add3A_51, %sign3A_149 : i32
          %sign3A_151 = arith.extui %sign3A_150 : i1 to i32
          %sign3A_152 = arith.subi %sign3A_148, %sign3A_151 : i32
          %sign3A_153 = arith.constant 0 : i32
          %sign3A_154 = arith.cmpi sgt, %jit3A_144, %sign3A_153 : i32
          %sign3A_155 = arith.extui %sign3A_154 : i1 to i32
          %sign3A_156 = arith.constant 0 : i32
          %sign3A_157 = arith.cmpi slt, %jit3A_144, %sign3A_156 : i32
          %sign3A_158 = arith.extui %sign3A_157 : i1 to i32
          %sign3A_159 = arith.subi %sign3A_155, %sign3A_158 : i32
          %ne3A_160 = arith.cmpi ne, %sign3A_152, %sign3A_159 : i32
          %rem3A_161 = arith.remsi %add3A_51, %jit3A_144 : i32
          %ne3A_162 = arith.constant 0 : i32
          %ne3A_163 = arith.cmpi ne, %rem3A_161, %ne3A_162 : i32
          %and3A_164 = arith.andi %ne3A_160, %ne3A_163 : i1
          %sub3A_165 = arith.constant 1 : i32
          %sub3A_166 = arith.subi %div3A_145, %sub3A_165 : i32
          %select_n3A_167 = arith.select %and3A_164, %sub3A_166, %div3A_145 : i32
          %jit3A_168 = arith.constant 2 : i32
          %eq3A_169 = arith.constant 0 : i32
          %eq3A_170 = arith.cmpi eq, %jit3A_168, %eq3A_169 : i32
          %jit3A_171 = arith.constant 1 : i32
          %select_n3A_172 = arith.select %eq3A_170, %jit3A_171, %jit3A_168 : i32
          %rem3A_173 = arith.remsi %add3A_51, %select_n3A_172 : i32
          %ne3A_174 = arith.constant 0 : i32
          %ne3A_175 = arith.cmpi ne, %rem3A_173, %ne3A_174 : i32
          %lt3A_176 = arith.constant 0 : i32
          %lt3A_177 = arith.cmpi slt, %rem3A_173, %lt3A_176 : i32
          %lt3A_178 = arith.constant 0 : i32
          %lt3A_179 = arith.cmpi slt, %select_n3A_172, %lt3A_178 : i32
          %ne3A_180 = arith.xori %lt3A_177, %lt3A_179 : i1
          %and3A_181 = arith.andi %ne3A_180, %ne3A_175 : i1
          %add3A_182 = arith.addi %rem3A_173, %select_n3A_172 : i32
          %select_n3A_183 = arith.select %and3A_181, %add3A_182, %rem3A_173 : i32
          %mul3A_184 = arith.constant 64 : i32
          %mul3A_185 = arith.muli %select_n3A_183, %mul3A_184 : i32
          %dma_wait3A = arith.constant 0 : i32
          %dma_wait3A_186 = arith.constant 1 : i32
          %dma_wait3A_187 = arith.constant 0 : i32
          %dma_wait3A_188 = arith.constant 0 : i32
          %dma_wait3A_189 = tpu.memref_slice %run_scoped3A_4[%dma_wait3A_186, %dma_wait3A_187, %dma_wait3A_188] : memref<3x64x128xf32, #tpu.memory_space<vmem>> -> memref<1x64x128xf32, #tpu.memory_space<vmem>>
          %dma_wait3A_190 = tpu.memref_squeeze %dma_wait3A_189 : memref<1x64x128xf32, #tpu.memory_space<vmem>> -> memref<64x128xf32, #tpu.memory_space<vmem>>
          %dma_wait3A_191 = tpu.memref_slice %run_scoped3A[%select_n3A_167, %dma_wait3A, %mul3A_185] : memref<79x2x128xi32, #tpu.memory_space<vmem>> -> memref<1x1x64xi32, #tpu.memory_space<vmem>>
          %dma_wait3A_192 = tpu.memref_squeeze %dma_wait3A_191 : memref<1x1x64xi32, #tpu.memory_space<vmem>> -> memref<64xi32, #tpu.memory_space<vmem>>
          %dma_wait3A_193 = arith.constant 0 : i32
          %dma_wait3A_194 = arith.constant 0 : i32
          %dma_wait3A_195 = tpu.memref_slice %arg2[%dma_wait3A_193, %dma_wait3A_194] : memref<10240x128xf32, #tpu.memory_space<hbm>> -> memref<10240x128xf32, #tpu.memory_space<hbm>>
          tpu.wait_indirect_dma semaphore(%arg8 : memref<!tpu.dma_semaphore, #tpu.memory_space<semaphore_mem>>) src(%dma_wait3A_195 : memref<10240x128xf32, #tpu.memory_space<hbm>>) dst(%dma_wait3A_190 : memref<64x128xf32, #tpu.memory_space<vmem>>)
        } else {
        }
        %eq3A_69 = arith.constant 2 : i32
        %eq3A_70 = arith.cmpi eq, %select_n3A_60, %eq3A_69 : i32
        %convert_element_type3A_71 = arith.extui %eq3A_70 : i1 to i32
        %cond3A_72 = arith.constant 0 : i32
        %cond3A_73 = arith.cmpi ne, %convert_element_type3A_71, %cond3A_72 : i32
        scf.if %cond3A_73 {
          %jit3A_144 = arith.constant 2 : i32
          %div3A_145 = arith.divsi %add3A_51, %jit3A_144 : i32
          %sign3A_146 = arith.constant 0 : i32
          %sign3A_147 = arith.cmpi sgt, %add3A_51, %sign3A_146 : i32
          %sign3A_148 = arith.extui %sign3A_147 : i1 to i32
          %sign3A_149 = arith.constant 0 : i32
          %sign3A_150 = arith.cmpi slt, %add3A_51, %sign3A_149 : i32
          %sign3A_151 = arith.extui %sign3A_150 : i1 to i32
          %sign3A_152 = arith.subi %sign3A_148, %sign3A_151 : i32
          %sign3A_153 = arith.constant 0 : i32
          %sign3A_154 = arith.cmpi sgt, %jit3A_144, %sign3A_153 : i32
          %sign3A_155 = arith.extui %sign3A_154 : i1 to i32
          %sign3A_156 = arith.constant 0 : i32
          %sign3A_157 = arith.cmpi slt, %jit3A_144, %sign3A_156 : i32
          %sign3A_158 = arith.extui %sign3A_157 : i1 to i32
          %sign3A_159 = arith.subi %sign3A_155, %sign3A_158 : i32
          %ne3A_160 = arith.cmpi ne, %sign3A_152, %sign3A_159 : i32
          %rem3A_161 = arith.remsi %add3A_51, %jit3A_144 : i32
          %ne3A_162 = arith.constant 0 : i32
          %ne3A_163 = arith.cmpi ne, %rem3A_161, %ne3A_162 : i32
          %and3A_164 = arith.andi %ne3A_160, %ne3A_163 : i1
          %sub3A_165 = arith.constant 1 : i32
          %sub3A_166 = arith.subi %div3A_145, %sub3A_165 : i32
          %select_n3A_167 = arith.select %and3A_164, %sub3A_166, %div3A_145 : i32
          %jit3A_168 = arith.constant 2 : i32
          %eq3A_169 = arith.constant 0 : i32
          %eq3A_170 = arith.cmpi eq, %jit3A_168, %eq3A_169 : i32
          %jit3A_171 = arith.constant 1 : i32
          %select_n3A_172 = arith.select %eq3A_170, %jit3A_171, %jit3A_168 : i32
          %rem3A_173 = arith.remsi %add3A_51, %select_n3A_172 : i32
          %ne3A_174 = arith.constant 0 : i32
          %ne3A_175 = arith.cmpi ne, %rem3A_173, %ne3A_174 : i32
          %lt3A_176 = arith.constant 0 : i32
          %lt3A_177 = arith.cmpi slt, %rem3A_173, %lt3A_176 : i32
          %lt3A_178 = arith.constant 0 : i32
          %lt3A_179 = arith.cmpi slt, %select_n3A_172, %lt3A_178 : i32
          %ne3A_180 = arith.xori %lt3A_177, %lt3A_179 : i1
          %and3A_181 = arith.andi %ne3A_180, %ne3A_175 : i1
          %add3A_182 = arith.addi %rem3A_173, %select_n3A_172 : i32
          %select_n3A_183 = arith.select %and3A_181, %add3A_182, %rem3A_173 : i32
          %mul3A_184 = arith.constant 64 : i32
          %mul3A_185 = arith.muli %select_n3A_183, %mul3A_184 : i32
          %dma_wait3A = arith.constant 0 : i32
          %dma_wait3A_186 = arith.constant 2 : i32
          %dma_wait3A_187 = arith.constant 0 : i32
          %dma_wait3A_188 = arith.constant 0 : i32
          %dma_wait3A_189 = tpu.memref_slice %run_scoped3A_4[%dma_wait3A_186, %dma_wait3A_187, %dma_wait3A_188] : memref<3x64x128xf32, #tpu.memory_space<vmem>> -> memref<1x64x128xf32, #tpu.memory_space<vmem>>
          %dma_wait3A_190 = tpu.memref_squeeze %dma_wait3A_189 : memref<1x64x128xf32, #tpu.memory_space<vmem>> -> memref<64x128xf32, #tpu.memory_space<vmem>>
          %dma_wait3A_191 = tpu.memref_slice %run_scoped3A[%select_n3A_167, %dma_wait3A, %mul3A_185] : memref<79x2x128xi32, #tpu.memory_space<vmem>> -> memref<1x1x64xi32, #tpu.memory_space<vmem>>
          %dma_wait3A_192 = tpu.memref_squeeze %dma_wait3A_191 : memref<1x1x64xi32, #tpu.memory_space<vmem>> -> memref<64xi32, #tpu.memory_space<vmem>>
          %dma_wait3A_193 = arith.constant 0 : i32
          %dma_wait3A_194 = arith.constant 0 : i32
          %dma_wait3A_195 = tpu.memref_slice %arg2[%dma_wait3A_193, %dma_wait3A_194] : memref<10240x128xf32, #tpu.memory_space<hbm>> -> memref<10240x128xf32, #tpu.memory_space<hbm>>
          tpu.wait_indirect_dma semaphore(%arg9 : memref<!tpu.dma_semaphore, #tpu.memory_space<semaphore_mem>>) src(%dma_wait3A_195 : memref<10240x128xf32, #tpu.memory_space<hbm>>) dst(%dma_wait3A_190 : memref<64x128xf32, #tpu.memory_space<vmem>>)
        } else {
        }
        %jit3A_74 = arith.constant 2 : i32
        %div3A = arith.divsi %add3A_51, %jit3A_74 : i32
        %sign3A = arith.constant 0 : i32
        %sign3A_75 = arith.cmpi sgt, %add3A_51, %sign3A : i32
        %sign3A_76 = arith.extui %sign3A_75 : i1 to i32
        %sign3A_77 = arith.constant 0 : i32
        %sign3A_78 = arith.cmpi slt, %add3A_51, %sign3A_77 : i32
        %sign3A_79 = arith.extui %sign3A_78 : i1 to i32
        %sign3A_80 = arith.subi %sign3A_76, %sign3A_79 : i32
        %sign3A_81 = arith.constant 0 : i32
        %sign3A_82 = arith.cmpi sgt, %jit3A_74, %sign3A_81 : i32
        %sign3A_83 = arith.extui %sign3A_82 : i1 to i32
        %sign3A_84 = arith.constant 0 : i32
        %sign3A_85 = arith.cmpi slt, %jit3A_74, %sign3A_84 : i32
        %sign3A_86 = arith.extui %sign3A_85 : i1 to i32
        %sign3A_87 = arith.subi %sign3A_83, %sign3A_86 : i32
        %ne3A_88 = arith.cmpi ne, %sign3A_80, %sign3A_87 : i32
        %rem3A_89 = arith.remsi %add3A_51, %jit3A_74 : i32
        %ne3A_90 = arith.constant 0 : i32
        %ne3A_91 = arith.cmpi ne, %rem3A_89, %ne3A_90 : i32
        %and3A_92 = arith.andi %ne3A_88, %ne3A_91 : i1
        %sub3A = arith.constant 1 : i32
        %sub3A_93 = arith.subi %div3A, %sub3A : i32
        %select_n3A_94 = arith.select %and3A_92, %sub3A_93, %div3A : i32
        %jit3A_95 = arith.constant 2 : i32
        %eq3A_96 = arith.constant 0 : i32
        %eq3A_97 = arith.cmpi eq, %jit3A_95, %eq3A_96 : i32
        %jit3A_98 = arith.constant 1 : i32
        %select_n3A_99 = arith.select %eq3A_97, %jit3A_98, %jit3A_95 : i32
        %rem3A_100 = arith.remsi %add3A_51, %select_n3A_99 : i32
        %ne3A_101 = arith.constant 0 : i32
        %ne3A_102 = arith.cmpi ne, %rem3A_100, %ne3A_101 : i32
        %lt3A_103 = arith.constant 0 : i32
        %lt3A_104 = arith.cmpi slt, %rem3A_100, %lt3A_103 : i32
        %lt3A_105 = arith.constant 0 : i32
        %lt3A_106 = arith.cmpi slt, %select_n3A_99, %lt3A_105 : i32
        %ne3A_107 = arith.xori %lt3A_104, %lt3A_106 : i1
        %and3A_108 = arith.andi %ne3A_107, %ne3A_102 : i1
        %add3A_109 = arith.addi %rem3A_100, %select_n3A_99 : i32
        %select_n3A_110 = arith.select %and3A_108, %add3A_109, %rem3A_100 : i32
        %mul3A_111 = arith.constant 64 : i32
        %mul3A_112 = arith.muli %select_n3A_110, %mul3A_111 : i32
        %run_scoped3A_113 = arith.constant 1 : i32
        "tpu.region"() ({
          %run_scoped3A_144 = tpu.sem_alloc : memref<!tpu.dma_semaphore, #tpu.memory_space<semaphore_mem>>
          %dma_start3A_145 = arith.constant 0 : i32
          %dma_start3A_146 = arith.constant 0 : i32
          %dma_start3A_147 = tpu.memref_slice %run_scoped3A_4[%select_n3A_60, %dma_start3A_145, %dma_start3A_146] : memref<3x64x128xf32, #tpu.memory_space<vmem>> -> memref<1x64x128xf32, #tpu.memory_space<vmem>>
          %dma_start3A_148 = tpu.memref_squeeze %dma_start3A_147 : memref<1x64x128xf32, #tpu.memory_space<vmem>> -> memref<64x128xf32, #tpu.memory_space<vmem>>
          %dma_start3A_149 = tpu.memref_slice %run_scoped3A[%select_n3A_94, %run_scoped3A_113, %mul3A_112] : memref<79x2x128xi32, #tpu.memory_space<vmem>> -> memref<1x1x64xi32, #tpu.memory_space<vmem>>
          %dma_start3A_150 = tpu.memref_squeeze %dma_start3A_149 : memref<1x1x64xi32, #tpu.memory_space<vmem>> -> memref<64xi32, #tpu.memory_space<vmem>>
          %dma_start3A_151 = arith.constant 0 : i32
          %dma_start3A_152 = arith.constant 0 : i32
          %dma_start3A_153 = tpu.memref_slice %arg6[%dma_start3A_151, %dma_start3A_152] : memref<10240x128xf32, #tpu.memory_space<vmem_shared>> -> memref<10240x128xf32, #tpu.memory_space<vmem_shared>>
          tpu.enqueue_indirect_dma source(%dma_start3A_148 : memref<64x128xf32, #tpu.memory_space<vmem>>) target(%dma_start3A_153 : memref<10240x128xf32, #tpu.memory_space<vmem_shared>>) offsets(%dma_start3A_150 : memref<64xi32, #tpu.memory_space<vmem>>) semaphore(%run_scoped3A_144 : memref<!tpu.dma_semaphore, #tpu.memory_space<semaphore_mem>>) {add = true}
          %dma_wait3A = arith.constant 0 : i32
          %dma_wait3A_154 = arith.constant 0 : i32
          %dma_wait3A_155 = tpu.memref_slice %run_scoped3A_4[%select_n3A_60, %dma_wait3A, %dma_wait3A_154] : memref<3x64x128xf32, #tpu.memory_space<vmem>> -> memref<1x64x128xf32, #tpu.memory_space<vmem>>
          %dma_wait3A_156 = tpu.memref_squeeze %dma_wait3A_155 : memref<1x64x128xf32, #tpu.memory_space<vmem>> -> memref<64x128xf32, #tpu.memory_space<vmem>>
          %dma_wait3A_157 = tpu.memref_slice %run_scoped3A[%select_n3A_94, %run_scoped3A_113, %mul3A_112] : memref<79x2x128xi32, #tpu.memory_space<vmem>> -> memref<1x1x64xi32, #tpu.memory_space<vmem>>
          %dma_wait3A_158 = tpu.memref_squeeze %dma_wait3A_157 : memref<1x1x64xi32, #tpu.memory_space<vmem>> -> memref<64xi32, #tpu.memory_space<vmem>>
          %dma_wait3A_159 = arith.constant 0 : i32
          %dma_wait3A_160 = arith.constant 0 : i32
          %dma_wait3A_161 = tpu.memref_slice %arg6[%dma_wait3A_159, %dma_wait3A_160] : memref<10240x128xf32, #tpu.memory_space<vmem_shared>> -> memref<10240x128xf32, #tpu.memory_space<vmem_shared>>
          tpu.wait_indirect_dma semaphore(%run_scoped3A_144 : memref<!tpu.dma_semaphore, #tpu.memory_space<semaphore_mem>>) src(%dma_wait3A_156 : memref<64x128xf32, #tpu.memory_space<vmem>>) dst(%dma_wait3A_161 : memref<10240x128xf32, #tpu.memory_space<vmem_shared>>)
          tpu.yield
        }) : () -> ()
        %add3A_114 = arith.constant 3 : i32
        %add3A_115 = arith.addi %add3A_51, %add3A_114 : i32
        %lt3A_116 = arith.constant 158 : i32
        %lt3A_117 = arith.cmpi slt, %add3A_115, %lt3A_116 : i32
        %eq3A_118 = arith.constant 0 : i32
        %eq3A_119 = arith.cmpi eq, %select_n3A_60, %eq3A_118 : i32
        %and3A_120 = arith.andi %lt3A_117, %eq3A_119 : i1
        %convert_element_type3A_121 = arith.extui %and3A_120 : i1 to i32
        %cond3A_122 = arith.constant 0 : i32
        %cond3A_123 = arith.cmpi ne, %convert_element_type3A_121, %cond3A_122 : i32
        scf.if %cond3A_123 {
          %add3A_144 = arith.constant 3 : i32
          %add3A_145 = arith.addi %add3A_51, %add3A_144 : i32
          %jit3A_146 = arith.constant 2 : i32
          %div3A_147 = arith.divsi %add3A_145, %jit3A_146 : i32
          %sign3A_148 = arith.constant 0 : i32
          %sign3A_149 = arith.cmpi sgt, %add3A_145, %sign3A_148 : i32
          %sign3A_150 = arith.extui %sign3A_149 : i1 to i32
          %sign3A_151 = arith.constant 0 : i32
          %sign3A_152 = arith.cmpi slt, %add3A_145, %sign3A_151 : i32
          %sign3A_153 = arith.extui %sign3A_152 : i1 to i32
          %sign3A_154 = arith.subi %sign3A_150, %sign3A_153 : i32
          %sign3A_155 = arith.constant 0 : i32
          %sign3A_156 = arith.cmpi sgt, %jit3A_146, %sign3A_155 : i32
          %sign3A_157 = arith.extui %sign3A_156 : i1 to i32
          %sign3A_158 = arith.constant 0 : i32
          %sign3A_159 = arith.cmpi slt, %jit3A_146, %sign3A_158 : i32
          %sign3A_160 = arith.extui %sign3A_159 : i1 to i32
          %sign3A_161 = arith.subi %sign3A_157, %sign3A_160 : i32
          %ne3A_162 = arith.cmpi ne, %sign3A_154, %sign3A_161 : i32
          %rem3A_163 = arith.remsi %add3A_145, %jit3A_146 : i32
          %ne3A_164 = arith.constant 0 : i32
          %ne3A_165 = arith.cmpi ne, %rem3A_163, %ne3A_164 : i32
          %and3A_166 = arith.andi %ne3A_162, %ne3A_165 : i1
          %sub3A_167 = arith.constant 1 : i32
          %sub3A_168 = arith.subi %div3A_147, %sub3A_167 : i32
          %select_n3A_169 = arith.select %and3A_166, %sub3A_168, %div3A_147 : i32
          %jit3A_170 = arith.constant 2 : i32
          %eq3A_171 = arith.constant 0 : i32
          %eq3A_172 = arith.cmpi eq, %jit3A_170, %eq3A_171 : i32
          %jit3A_173 = arith.constant 1 : i32
          %select_n3A_174 = arith.select %eq3A_172, %jit3A_173, %jit3A_170 : i32
          %rem3A_175 = arith.remsi %add3A_145, %select_n3A_174 : i32
          %ne3A_176 = arith.constant 0 : i32
          %ne3A_177 = arith.cmpi ne, %rem3A_175, %ne3A_176 : i32
          %lt3A_178 = arith.constant 0 : i32
          %lt3A_179 = arith.cmpi slt, %rem3A_175, %lt3A_178 : i32
          %lt3A_180 = arith.constant 0 : i32
          %lt3A_181 = arith.cmpi slt, %select_n3A_174, %lt3A_180 : i32
          %ne3A_182 = arith.xori %lt3A_179, %lt3A_181 : i1
          %and3A_183 = arith.andi %ne3A_182, %ne3A_177 : i1
          %add3A_184 = arith.addi %rem3A_175, %select_n3A_174 : i32
          %select_n3A_185 = arith.select %and3A_183, %add3A_184, %rem3A_175 : i32
          %mul3A_186 = arith.constant 64 : i32
          %mul3A_187 = arith.muli %select_n3A_185, %mul3A_186 : i32
          %dma_start3A_188 = arith.constant 0 : i32
          %dma_start3A_189 = arith.constant 0 : i32
          %dma_start3A_190 = arith.constant 0 : i32
          %dma_start3A_191 = arith.constant 0 : i32
          %dma_start3A_192 = tpu.memref_slice %run_scoped3A_4[%dma_start3A_189, %dma_start3A_190, %dma_start3A_191] : memref<3x64x128xf32, #tpu.memory_space<vmem>> -> memref<1x64x128xf32, #tpu.memory_space<vmem>>
          %dma_start3A_193 = tpu.memref_squeeze %dma_start3A_192 : memref<1x64x128xf32, #tpu.memory_space<vmem>> -> memref<64x128xf32, #tpu.memory_space<vmem>>
          %dma_start3A_194 = tpu.memref_slice %run_scoped3A[%select_n3A_169, %dma_start3A_188, %mul3A_187] : memref<79x2x128xi32, #tpu.memory_space<vmem>> -> memref<1x1x64xi32, #tpu.memory_space<vmem>>
          %dma_start3A_195 = tpu.memref_squeeze %dma_start3A_194 : memref<1x1x64xi32, #tpu.memory_space<vmem>> -> memref<64xi32, #tpu.memory_space<vmem>>
          %dma_start3A_196 = arith.constant 0 : i32
          %dma_start3A_197 = arith.constant 0 : i32
          %dma_start3A_198 = tpu.memref_slice %arg2[%dma_start3A_196, %dma_start3A_197] : memref<10240x128xf32, #tpu.memory_space<hbm>> -> memref<10240x128xf32, #tpu.memory_space<hbm>>
          tpu.enqueue_indirect_dma source(%dma_start3A_198 : memref<10240x128xf32, #tpu.memory_space<hbm>>) target(%dma_start3A_193 : memref<64x128xf32, #tpu.memory_space<vmem>>) offsets(%dma_start3A_195 : memref<64xi32, #tpu.memory_space<vmem>>) semaphore(%arg7 : memref<!tpu.dma_semaphore, #tpu.memory_space<semaphore_mem>>)
        } else {
        }
        %add3A_124 = arith.constant 3 : i32
        %add3A_125 = arith.addi %add3A_51, %add3A_124 : i32
        %lt3A_126 = arith.constant 158 : i32
        %lt3A_127 = arith.cmpi slt, %add3A_125, %lt3A_126 : i32
        %eq3A_128 = arith.constant 1 : i32
        %eq3A_129 = arith.cmpi eq, %select_n3A_60, %eq3A_128 : i32
        %and3A_130 = arith.andi %lt3A_127, %eq3A_129 : i1
        %convert_element_type3A_131 = arith.extui %and3A_130 : i1 to i32
        %cond3A_132 = arith.constant 0 : i32
        %cond3A_133 = arith.cmpi ne, %convert_element_type3A_131, %cond3A_132 : i32
        scf.if %cond3A_133 {
          %add3A_144 = arith.constant 3 : i32
          %add3A_145 = arith.addi %add3A_51, %add3A_144 : i32
          %jit3A_146 = arith.constant 2 : i32
          %div3A_147 = arith.divsi %add3A_145, %jit3A_146 : i32
          %sign3A_148 = arith.constant 0 : i32
          %sign3A_149 = arith.cmpi sgt, %add3A_145, %sign3A_148 : i32
          %sign3A_150 = arith.extui %sign3A_149 : i1 to i32
          %sign3A_151 = arith.constant 0 : i32
          %sign3A_152 = arith.cmpi slt, %add3A_145, %sign3A_151 : i32
          %sign3A_153 = arith.extui %sign3A_152 : i1 to i32
          %sign3A_154 = arith.subi %sign3A_150, %sign3A_153 : i32
          %sign3A_155 = arith.constant 0 : i32
          %sign3A_156 = arith.cmpi sgt, %jit3A_146, %sign3A_155 : i32
          %sign3A_157 = arith.extui %sign3A_156 : i1 to i32
          %sign3A_158 = arith.constant 0 : i32
          %sign3A_159 = arith.cmpi slt, %jit3A_146, %sign3A_158 : i32
          %sign3A_160 = arith.extui %sign3A_159 : i1 to i32
          %sign3A_161 = arith.subi %sign3A_157, %sign3A_160 : i32
          %ne3A_162 = arith.cmpi ne, %sign3A_154, %sign3A_161 : i32
          %rem3A_163 = arith.remsi %add3A_145, %jit3A_146 : i32
          %ne3A_164 = arith.constant 0 : i32
          %ne3A_165 = arith.cmpi ne, %rem3A_163, %ne3A_164 : i32
          %and3A_166 = arith.andi %ne3A_162, %ne3A_165 : i1
          %sub3A_167 = arith.constant 1 : i32
          %sub3A_168 = arith.subi %div3A_147, %sub3A_167 : i32
          %select_n3A_169 = arith.select %and3A_166, %sub3A_168, %div3A_147 : i32
          %jit3A_170 = arith.constant 2 : i32
          %eq3A_171 = arith.constant 0 : i32
          %eq3A_172 = arith.cmpi eq, %jit3A_170, %eq3A_171 : i32
          %jit3A_173 = arith.constant 1 : i32
          %select_n3A_174 = arith.select %eq3A_172, %jit3A_173, %jit3A_170 : i32
          %rem3A_175 = arith.remsi %add3A_145, %select_n3A_174 : i32
          %ne3A_176 = arith.constant 0 : i32
          %ne3A_177 = arith.cmpi ne, %rem3A_175, %ne3A_176 : i32
          %lt3A_178 = arith.constant 0 : i32
          %lt3A_179 = arith.cmpi slt, %rem3A_175, %lt3A_178 : i32
          %lt3A_180 = arith.constant 0 : i32
          %lt3A_181 = arith.cmpi slt, %select_n3A_174, %lt3A_180 : i32
          %ne3A_182 = arith.xori %lt3A_179, %lt3A_181 : i1
          %and3A_183 = arith.andi %ne3A_182, %ne3A_177 : i1
          %add3A_184 = arith.addi %rem3A_175, %select_n3A_174 : i32
          %select_n3A_185 = arith.select %and3A_183, %add3A_184, %rem3A_175 : i32
          %mul3A_186 = arith.constant 64 : i32
          %mul3A_187 = arith.muli %select_n3A_185, %mul3A_186 : i32
          %dma_start3A_188 = arith.constant 0 : i32
          %dma_start3A_189 = arith.constant 1 : i32
          %dma_start3A_190 = arith.constant 0 : i32
          %dma_start3A_191 = arith.constant 0 : i32
          %dma_start3A_192 = tpu.memref_slice %run_scoped3A_4[%dma_start3A_189, %dma_start3A_190, %dma_start3A_191] : memref<3x64x128xf32, #tpu.memory_space<vmem>> -> memref<1x64x128xf32, #tpu.memory_space<vmem>>
          %dma_start3A_193 = tpu.memref_squeeze %dma_start3A_192 : memref<1x64x128xf32, #tpu.memory_space<vmem>> -> memref<64x128xf32, #tpu.memory_space<vmem>>
          %dma_start3A_194 = tpu.memref_slice %run_scoped3A[%select_n3A_169, %dma_start3A_188, %mul3A_187] : memref<79x2x128xi32, #tpu.memory_space<vmem>> -> memref<1x1x64xi32, #tpu.memory_space<vmem>>
          %dma_start3A_195 = tpu.memref_squeeze %dma_start3A_194 : memref<1x1x64xi32, #tpu.memory_space<vmem>> -> memref<64xi32, #tpu.memory_space<vmem>>
          %dma_start3A_196 = arith.constant 0 : i32
          %dma_start3A_197 = arith.constant 0 : i32
          %dma_start3A_198 = tpu.memref_slice %arg2[%dma_start3A_196, %dma_start3A_197] : memref<10240x128xf32, #tpu.memory_space<hbm>> -> memref<10240x128xf32, #tpu.memory_space<hbm>>
          tpu.enqueue_indirect_dma source(%dma_start3A_198 : memref<10240x128xf32, #tpu.memory_space<hbm>>) target(%dma_start3A_193 : memref<64x128xf32, #tpu.memory_space<vmem>>) offsets(%dma_start3A_195 : memref<64xi32, #tpu.memory_space<vmem>>) semaphore(%arg8 : memref<!tpu.dma_semaphore, #tpu.memory_space<semaphore_mem>>)
        } else {
        }
        %add3A_134 = arith.constant 3 : i32
        %add3A_135 = arith.addi %add3A_51, %add3A_134 : i32
        %lt3A_136 = arith.constant 158 : i32
        %lt3A_137 = arith.cmpi slt, %add3A_135, %lt3A_136 : i32
        %eq3A_138 = arith.constant 2 : i32
        %eq3A_139 = arith.cmpi eq, %select_n3A_60, %eq3A_138 : i32
        %and3A_140 = arith.andi %lt3A_137, %eq3A_139 : i1
        %convert_element_type3A_141 = arith.extui %and3A_140 : i1 to i32
        %cond3A_142 = arith.constant 0 : i32
        %cond3A_143 = arith.cmpi ne, %convert_element_type3A_141, %cond3A_142 : i32
        scf.if %cond3A_143 {
          %add3A_144 = arith.constant 3 : i32
          %add3A_145 = arith.addi %add3A_51, %add3A_144 : i32
          %jit3A_146 = arith.constant 2 : i32
          %div3A_147 = arith.divsi %add3A_145, %jit3A_146 : i32
          %sign3A_148 = arith.constant 0 : i32
          %sign3A_149 = arith.cmpi sgt, %add3A_145, %sign3A_148 : i32
          %sign3A_150 = arith.extui %sign3A_149 : i1 to i32
          %sign3A_151 = arith.constant 0 : i32
          %sign3A_152 = arith.cmpi slt, %add3A_145, %sign3A_151 : i32
          %sign3A_153 = arith.extui %sign3A_152 : i1 to i32
          %sign3A_154 = arith.subi %sign3A_150, %sign3A_153 : i32
          %sign3A_155 = arith.constant 0 : i32
          %sign3A_156 = arith.cmpi sgt, %jit3A_146, %sign3A_155 : i32
          %sign3A_157 = arith.extui %sign3A_156 : i1 to i32
          %sign3A_158 = arith.constant 0 : i32
          %sign3A_159 = arith.cmpi slt, %jit3A_146, %sign3A_158 : i32
          %sign3A_160 = arith.extui %sign3A_159 : i1 to i32
          %sign3A_161 = arith.subi %sign3A_157, %sign3A_160 : i32
          %ne3A_162 = arith.cmpi ne, %sign3A_154, %sign3A_161 : i32
          %rem3A_163 = arith.remsi %add3A_145, %jit3A_146 : i32
          %ne3A_164 = arith.constant 0 : i32
          %ne3A_165 = arith.cmpi ne, %rem3A_163, %ne3A_164 : i32
          %and3A_166 = arith.andi %ne3A_162, %ne3A_165 : i1
          %sub3A_167 = arith.constant 1 : i32
          %sub3A_168 = arith.subi %div3A_147, %sub3A_167 : i32
          %select_n3A_169 = arith.select %and3A_166, %sub3A_168, %div3A_147 : i32
          %jit3A_170 = arith.constant 2 : i32
          %eq3A_171 = arith.constant 0 : i32
          %eq3A_172 = arith.cmpi eq, %jit3A_170, %eq3A_171 : i32
          %jit3A_173 = arith.constant 1 : i32
          %select_n3A_174 = arith.select %eq3A_172, %jit3A_173, %jit3A_170 : i32
          %rem3A_175 = arith.remsi %add3A_145, %select_n3A_174 : i32
          %ne3A_176 = arith.constant 0 : i32
          %ne3A_177 = arith.cmpi ne, %rem3A_175, %ne3A_176 : i32
          %lt3A_178 = arith.constant 0 : i32
          %lt3A_179 = arith.cmpi slt, %rem3A_175, %lt3A_178 : i32
          %lt3A_180 = arith.constant 0 : i32
          %lt3A_181 = arith.cmpi slt, %select_n3A_174, %lt3A_180 : i32
          %ne3A_182 = arith.xori %lt3A_179, %lt3A_181 : i1
          %and3A_183 = arith.andi %ne3A_182, %ne3A_177 : i1
          %add3A_184 = arith.addi %rem3A_175, %select_n3A_174 : i32
          %select_n3A_185 = arith.select %and3A_183, %add3A_184, %rem3A_175 : i32
          %mul3A_186 = arith.constant 64 : i32
          %mul3A_187 = arith.muli %select_n3A_185, %mul3A_186 : i32
          %dma_start3A_188 = arith.constant 0 : i32
          %dma_start3A_189 = arith.constant 2 : i32
          %dma_start3A_190 = arith.constant 0 : i32
          %dma_start3A_191 = arith.constant 0 : i32
          %dma_start3A_192 = tpu.memref_slice %run_scoped3A_4[%dma_start3A_189, %dma_start3A_190, %dma_start3A_191] : memref<3x64x128xf32, #tpu.memory_space<vmem>> -> memref<1x64x128xf32, #tpu.memory_space<vmem>>
          %dma_start3A_193 = tpu.memref_squeeze %dma_start3A_192 : memref<1x64x128xf32, #tpu.memory_space<vmem>> -> memref<64x128xf32, #tpu.memory_space<vmem>>
          %dma_start3A_194 = tpu.memref_slice %run_scoped3A[%select_n3A_169, %dma_start3A_188, %mul3A_187] : memref<79x2x128xi32, #tpu.memory_space<vmem>> -> memref<1x1x64xi32, #tpu.memory_space<vmem>>
          %dma_start3A_195 = tpu.memref_squeeze %dma_start3A_194 : memref<1x1x64xi32, #tpu.memory_space<vmem>> -> memref<64xi32, #tpu.memory_space<vmem>>
          %dma_start3A_196 = arith.constant 0 : i32
          %dma_start3A_197 = arith.constant 0 : i32
          %dma_start3A_198 = tpu.memref_slice %arg2[%dma_start3A_196, %dma_start3A_197] : memref<10240x128xf32, #tpu.memory_space<hbm>> -> memref<10240x128xf32, #tpu.memory_space<hbm>>
          tpu.enqueue_indirect_dma source(%dma_start3A_198 : memref<10240x128xf32, #tpu.memory_space<hbm>>) target(%dma_start3A_193 : memref<64x128xf32, #tpu.memory_space<vmem>>) offsets(%dma_start3A_195 : memref<64xi32, #tpu.memory_space<vmem>>) semaphore(%arg9 : memref<!tpu.dma_semaphore, #tpu.memory_space<semaphore_mem>>)
        } else {
        }
      }
      %scan3A_46 = arith.constant 158 : i32
      tpu.yield
    }) : () -> ()
    %barrier3A_3 = arith.constant 0 : index
    tpu.barrier barrier_id(%barrier3A_3)
    "tpu.region"() ({
      %run_scoped3A = tpu.sem_alloc : memref<!tpu.dma_semaphore, #tpu.memory_space<semaphore_mem>>
      %dma_start3A = arith.constant 0 : i32
      %dma_start3A_4 = tpu.memref_slice %arg5[%arg0, %mul3A_2, %dma_start3A] : memref<2x10240x128xf32, #tpu.memory_space<hbm>> -> memref<1x640x128xf32, #tpu.memory_space<hbm>>
      %dma_start3A_5 = tpu.memref_squeeze %dma_start3A_4 : memref<1x640x128xf32, #tpu.memory_space<hbm>> -> memref<640x128xf32, #tpu.memory_space<hbm>>
      %dma_start3A_6 = arith.constant 0 : i32
      %dma_start3A_7 = tpu.memref_slice %arg6[%mul3A_2, %dma_start3A_6] : memref<10240x128xf32, #tpu.memory_space<vmem_shared>> -> memref<640x128xf32, #tpu.memory_space<vmem_shared>>
      tpu.enqueue_dma source(%dma_start3A_7 : memref<640x128xf32, #tpu.memory_space<vmem_shared>>) target(%dma_start3A_5 : memref<640x128xf32, #tpu.memory_space<hbm>>) target_semaphore(%run_scoped3A : memref<!tpu.dma_semaphore, #tpu.memory_space<semaphore_mem>>)
      %dma_wait3A = arith.constant 0 : i32
      %dma_wait3A_8 = tpu.memref_slice %arg5[%arg0, %mul3A_2, %dma_wait3A] : memref<2x10240x128xf32, #tpu.memory_space<hbm>> -> memref<1x640x128xf32, #tpu.memory_space<hbm>>
      %dma_wait3A_9 = tpu.memref_squeeze %dma_wait3A_8 : memref<1x640x128xf32, #tpu.memory_space<hbm>> -> memref<640x128xf32, #tpu.memory_space<hbm>>
      %dma_wait3A_10 = arith.constant 0 : i32
      %dma_wait3A_11 = tpu.memref_slice %arg6[%mul3A_2, %dma_wait3A_10] : memref<10240x128xf32, #tpu.memory_space<vmem_shared>> -> memref<640x128xf32, #tpu.memory_space<vmem_shared>>
      tpu.wait_dma2 semaphore(%run_scoped3A : memref<!tpu.dma_semaphore, #tpu.memory_space<semaphore_mem>>) src(%dma_wait3A_11 : memref<640x128xf32, #tpu.memory_space<vmem_shared>>) dst(%dma_wait3A_9 : memref<640x128xf32, #tpu.memory_space<hbm>>)
      tpu.yield
    }) : () -> ()
    return
  }
}

#map = affine_map<(d0, d1) -> (0, 0)>
#map1 = affine_map<(d0, d1) -> (0, 0, 0, 0)>
#map2 = affine_map<(d0, d1) -> (0, 0, 0)>
module attributes {stable_mosaic.version = 14 : i64} {
  func.func @k(%arg0: i32, %arg1: i32, %arg2: memref<10240x128xf32, #tpu.memory_space<hbm>>, %arg3: memref<32x79x2x128xi32, #tpu.memory_space<hbm>>, %arg4: memref<10240x128xf32, #tpu.memory_space<hbm>>, %arg5: memref<2x10240x128xf32, #tpu.memory_space<hbm>>, %arg6: memref<10240x128xf32, #tpu.memory_space<vmem_shared>>, %arg7: memref<!tpu.dma_semaphore, #tpu.memory_space<semaphore_mem>>, %arg8: memref<!tpu.dma_semaphore, #tpu.memory_space<semaphore_mem>>, %arg9: memref<!tpu.dma_semaphore, #tpu.memory_space<semaphore_mem>>) attributes {dimension_semantics = [#tpu.dimension_semantics<core_parallel>, #tpu.dimension_semantics<subcore_parallel>], iteration_bounds = array<i64: 2, 16>, scalar_prefetch = 0 : i64, scratch_operands = 4 : i64, tpu.core_type = #tpu.core_type<sc_vector_subcore>, window_params = [{transform_indices = #map}, {transform_indices = #map1}, {transform_indices = #map}, {transform_indices = #map2}]} {
    %mul3A = arith.constant 2 : i32
    %mul3A_0 = arith.muli %arg1, %mul3A : i32
    %add3A = arith.addi %mul3A_0, %arg0 : i32
    %mul3A_1 = arith.constant 640 : i32
    %mul3A_2 = arith.muli %arg1, %mul3A_1 : i32
    "tpu.region"() ({
      %run_scoped3A = tpu.sem_alloc : memref<!tpu.dma_semaphore, #tpu.memory_space<semaphore_mem>>
      %dma_start3A = arith.constant 0 : i32
      %dma_start3A_4 = tpu.memref_slice %arg6[%mul3A_2, %dma_start3A] : memref<10240x128xf32, #tpu.memory_space<vmem_shared>> -> memref<640x128xf32, #tpu.memory_space<vmem_shared>>
      %dma_start3A_5 = arith.constant 0 : i32
      %dma_start3A_6 = tpu.memref_slice %arg4[%mul3A_2, %dma_start3A_5] : memref<10240x128xf32, #tpu.memory_space<hbm>> -> memref<640x128xf32, #tpu.memory_space<hbm>>
      tpu.enqueue_dma source(%dma_start3A_6 : memref<640x128xf32, #tpu.memory_space<hbm>>) target(%dma_start3A_4 : memref<640x128xf32, #tpu.memory_space<vmem_shared>>) target_semaphore(%run_scoped3A : memref<!tpu.dma_semaphore, #tpu.memory_space<semaphore_mem>>)
      %dma_wait3A = arith.constant 0 : i32
      %dma_wait3A_7 = tpu.memref_slice %arg6[%mul3A_2, %dma_wait3A] : memref<10240x128xf32, #tpu.memory_space<vmem_shared>> -> memref<640x128xf32, #tpu.memory_space<vmem_shared>>
      %dma_wait3A_8 = arith.constant 0 : i32
      %dma_wait3A_9 = tpu.memref_slice %arg4[%mul3A_2, %dma_wait3A_8] : memref<10240x128xf32, #tpu.memory_space<hbm>> -> memref<640x128xf32, #tpu.memory_space<hbm>>
      tpu.wait_dma2 semaphore(%run_scoped3A : memref<!tpu.dma_semaphore, #tpu.memory_space<semaphore_mem>>) src(%dma_wait3A_9 : memref<640x128xf32, #tpu.memory_space<hbm>>) dst(%dma_wait3A_7 : memref<640x128xf32, #tpu.memory_space<vmem_shared>>)
      tpu.yield
    }) : () -> ()
    %barrier3A = arith.constant 0 : index
    tpu.barrier barrier_id(%barrier3A)
    "tpu.region"() ({
      %run_scoped3A = memref.alloca() : memref<79x2x128xi32, #tpu.memory_space<vmem>>
      %run_scoped3A_4 = memref.alloca() : memref<3x64x128xf32, #tpu.memory_space<vmem>>
      "tpu.region"() ({
        %run_scoped3A_47 = tpu.sem_alloc : memref<!tpu.dma_semaphore, #tpu.memory_space<semaphore_mem>>
        %dma_start3A_48 = arith.constant 0 : i32
        %dma_start3A_49 = arith.constant 0 : i32
        %dma_start3A_50 = arith.constant 0 : i32
        %dma_start3A_51 = tpu.memref_slice %arg3[%add3A, %dma_start3A_48, %dma_start3A_49, %dma_start3A_50] : memref<32x79x2x128xi32, #tpu.memory_space<hbm>> -> memref<1x79x2x128xi32, #tpu.memory_space<hbm>>
        %dma_start3A_52 = tpu.memref_squeeze %dma_start3A_51 : memref<1x79x2x128xi32, #tpu.memory_space<hbm>> -> memref<79x2x128xi32, #tpu.memory_space<hbm>>
        %dma_start3A_53 = arith.constant 0 : i32
        %dma_start3A_54 = arith.constant 0 : i32
        %dma_start3A_55 = arith.constant 0 : i32
        %dma_start3A_56 = tpu.memref_slice %arg3[%add3A, %dma_start3A_53, %dma_start3A_54, %dma_start3A_55] : memref<32x79x2x128xi32, #tpu.memory_space<hbm>> -> memref<1x79x2x128xi32, #tpu.memory_space<hbm>>
        %dma_start3A_57 = tpu.memref_squeeze %dma_start3A_56 : memref<1x79x2x128xi32, #tpu.memory_space<hbm>> -> memref<79x2x128xi32, #tpu.memory_space<hbm>>
        tpu.enqueue_dma source(%dma_start3A_57 : memref<79x2x128xi32, #tpu.memory_space<hbm>>) target(%run_scoped3A : memref<79x2x128xi32, #tpu.memory_space<vmem>>) target_semaphore(%run_scoped3A_47 : memref<!tpu.dma_semaphore, #tpu.memory_space<semaphore_mem>>)
        %dma_wait3A = arith.constant 0 : i32
        %dma_wait3A_58 = arith.constant 0 : i32
        %dma_wait3A_59 = arith.constant 0 : i32
        %dma_wait3A_60 = tpu.memref_slice %arg3[%add3A, %dma_wait3A, %dma_wait3A_58, %dma_wait3A_59] : memref<32x79x2x128xi32, #tpu.memory_space<hbm>> -> memref<1x79x2x128xi32, #tpu.memory_space<hbm>>
        %dma_wait3A_61 = tpu.memref_squeeze %dma_wait3A_60 : memref<1x79x2x128xi32, #tpu.memory_space<hbm>> -> memref<79x2x128xi32, #tpu.memory_space<hbm>>
        %dma_wait3A_62 = arith.constant 0 : i32
        %dma_wait3A_63 = arith.constant 0 : i32
        %dma_wait3A_64 = arith.constant 0 : i32
        %dma_wait3A_65 = tpu.memref_slice %arg3[%add3A, %dma_wait3A_62, %dma_wait3A_63, %dma_wait3A_64] : memref<32x79x2x128xi32, #tpu.memory_space<hbm>> -> memref<1x79x2x128xi32, #tpu.memory_space<hbm>>
        %dma_wait3A_66 = tpu.memref_squeeze %dma_wait3A_65 : memref<1x79x2x128xi32, #tpu.memory_space<hbm>> -> memref<79x2x128xi32, #tpu.memory_space<hbm>>
        tpu.wait_dma2 semaphore(%run_scoped3A_47 : memref<!tpu.dma_semaphore, #tpu.memory_space<semaphore_mem>>) src(%dma_wait3A_66 : memref<79x2x128xi32, #tpu.memory_space<hbm>>) dst(%run_scoped3A : memref<79x2x128xi32, #tpu.memory_space<vmem>>)
        tpu.yield
      }) : () -> ()
      %dma_start3A = arith.constant 0 : i32
      %dma_start3A_5 = arith.constant 0 : i32
      %dma_start3A_6 = arith.constant 0 : i32
      %dma_start3A_7 = arith.constant 0 : i32
      %dma_start3A_8 = arith.constant 0 : i32
      %dma_start3A_9 = tpu.memref_slice %run_scoped3A_4[%dma_start3A_6, %dma_start3A_7, %dma_start3A_8] : memref<3x64x128xf32, #tpu.memory_space<vmem>> -> memref<1x64x128xf32, #tpu.memory_space<vmem>>
      %dma_start3A_10 = tpu.memref_squeeze %dma_start3A_9 : memref<1x64x128xf32, #tpu.memory_space<vmem>> -> memref<64x128xf32, #tpu.memory_space<vmem>>
      %dma_start3A_11 = arith.constant 0 : i32
      %dma_start3A_12 = tpu.memref_slice %run_scoped3A[%dma_start3A, %dma_start3A_5, %dma_start3A_11] : memref<79x2x128xi32, #tpu.memory_space<vmem>> -> memref<1x1x64xi32, #tpu.memory_space<vmem>>
      %dma_start3A_13 = tpu.memref_squeeze %dma_start3A_12 : memref<1x1x64xi32, #tpu.memory_space<vmem>> -> memref<64xi32, #tpu.memory_space<vmem>>
      %dma_start3A_14 = arith.constant 0 : i32
      %dma_start3A_15 = arith.constant 0 : i32
      %dma_start3A_16 = tpu.memref_slice %arg2[%dma_start3A_14, %dma_start3A_15] : memref<10240x128xf32, #tpu.memory_space<hbm>> -> memref<10240x128xf32, #tpu.memory_space<hbm>>
      tpu.enqueue_indirect_dma source(%dma_start3A_16 : memref<10240x128xf32, #tpu.memory_space<hbm>>) target(%dma_start3A_10 : memref<64x128xf32, #tpu.memory_space<vmem>>) offsets(%dma_start3A_13 : memref<64xi32, #tpu.memory_space<vmem>>) semaphore(%arg7 : memref<!tpu.dma_semaphore, #tpu.memory_space<semaphore_mem>>)
      %dma_start3A_17 = arith.constant 0 : i32
      %dma_start3A_18 = arith.constant 0 : i32
      %dma_start3A_19 = arith.constant 1 : i32
      %dma_start3A_20 = arith.constant 0 : i32
      %dma_start3A_21 = arith.constant 0 : i32
      %dma_start3A_22 = tpu.memref_slice %run_scoped3A_4[%dma_start3A_19, %dma_start3A_20, %dma_start3A_21] : memref<3x64x128xf32, #tpu.memory_space<vmem>> -> memref<1x64x128xf32, #tpu.memory_space<vmem>>
      %dma_start3A_23 = tpu.memref_squeeze %dma_start3A_22 : memref<1x64x128xf32, #tpu.memory_space<vmem>> -> memref<64x128xf32, #tpu.memory_space<vmem>>
      %dma_start3A_24 = arith.constant 64 : i32
      %dma_start3A_25 = tpu.memref_slice %run_scoped3A[%dma_start3A_17, %dma_start3A_18, %dma_start3A_24] : memref<79x2x128xi32, #tpu.memory_space<vmem>> -> memref<1x1x64xi32, #tpu.memory_space<vmem>>
      %dma_start3A_26 = tpu.memref_squeeze %dma_start3A_25 : memref<1x1x64xi32, #tpu.memory_space<vmem>> -> memref<64xi32, #tpu.memory_space<vmem>>
      %dma_start3A_27 = arith.constant 0 : i32
      %dma_start3A_28 = arith.constant 0 : i32
      %dma_start3A_29 = tpu.memref_slice %arg2[%dma_start3A_27, %dma_start3A_28] : memref<10240x128xf32, #tpu.memory_space<hbm>> -> memref<10240x128xf32, #tpu.memory_space<hbm>>
      tpu.enqueue_indirect_dma source(%dma_start3A_29 : memref<10240x128xf32, #tpu.memory_space<hbm>>) target(%dma_start3A_23 : memref<64x128xf32, #tpu.memory_space<vmem>>) offsets(%dma_start3A_26 : memref<64xi32, #tpu.memory_space<vmem>>) semaphore(%arg8 : memref<!tpu.dma_semaphore, #tpu.memory_space<semaphore_mem>>)
      %dma_start3A_30 = arith.constant 1 : i32
      %dma_start3A_31 = arith.constant 0 : i32
      %dma_start3A_32 = arith.constant 2 : i32
      %dma_start3A_33 = arith.constant 0 : i32
      %dma_start3A_34 = arith.constant 0 : i32
      %dma_start3A_35 = tpu.memref_slice %run_scoped3A_4[%dma_start3A_32, %dma_start3A_33, %dma_start3A_34] : memref<3x64x128xf32, #tpu.memory_space<vmem>> -> memref<1x64x128xf32, #tpu.memory_space<vmem>>
      %dma_start3A_36 = tpu.memref_squeeze %dma_start3A_35 : memref<1x64x128xf32, #tpu.memory_space<vmem>> -> memref<64x128xf32, #tpu.memory_space<vmem>>
      %dma_start3A_37 = arith.constant 0 : i32
      %dma_start3A_38 = tpu.memref_slice %run_scoped3A[%dma_start3A_30, %dma_start3A_31, %dma_start3A_37] : memref<79x2x128xi32, #tpu.memory_space<vmem>> -> memref<1x1x64xi32, #tpu.memory_space<vmem>>
      %dma_start3A_39 = tpu.memref_squeeze %dma_start3A_38 : memref<1x1x64xi32, #tpu.memory_space<vmem>> -> memref<64xi32, #tpu.memory_space<vmem>>
      %dma_start3A_40 = arith.constant 0 : i32
      %dma_start3A_41 = arith.constant 0 : i32
      %dma_start3A_42 = tpu.memref_slice %arg2[%dma_start3A_40, %dma_start3A_41] : memref<10240x128xf32, #tpu.memory_space<hbm>> -> memref<10240x128xf32, #tpu.memory_space<hbm>>
      tpu.enqueue_indirect_dma source(%dma_start3A_42 : memref<10240x128xf32, #tpu.memory_space<hbm>>) target(%dma_start3A_36 : memref<64x128xf32, #tpu.memory_space<vmem>>) offsets(%dma_start3A_39 : memref<64xi32, #tpu.memory_space<vmem>>) semaphore(%arg9 : memref<!tpu.dma_semaphore, #tpu.memory_space<semaphore_mem>>)
      %scan3A = arith.constant 0 : i32
      %scan3A_43 = arith.constant 158 : i32
      %scan3A_44 = arith.addi %scan3A, %scan3A_43 : i32
      %scan3A_45 = arith.constant 1 : i32
      scf.for %scan3A_47 = %scan3A to %scan3A_44 step %scan3A_45  : i32 {
        %mul3A_48 = arith.constant 1 : i32
        %mul3A_49 = arith.muli %scan3A_47, %mul3A_48 : i32
        %add3A_50 = arith.constant 0 : i32
        %add3A_51 = arith.addi %add3A_50, %mul3A_49 : i32
        %jit3A = arith.constant 3 : i32
        %eq3A = arith.constant 0 : i32
        %eq3A_52 = arith.cmpi eq, %jit3A, %eq3A : i32
        %jit3A_53 = arith.constant 1 : i32
        %select_n3A = arith.select %eq3A_52, %jit3A_53, %jit3A : i32
        %rem3A = arith.remsi %add3A_51, %select_n3A : i32
        %ne3A = arith.constant 0 : i32
        %ne3A_54 = arith.cmpi ne, %rem3A, %ne3A : i32
        %lt3A = arith.constant 0 : i32
        %lt3A_55 = arith.cmpi slt, %rem3A, %lt3A : i32
        %lt3A_56 = arith.constant 0 : i32
        %lt3A_57 = arith.cmpi slt, %select_n3A, %lt3A_56 : i32
        %ne3A_58 = arith.xori %lt3A_55, %lt3A_57 : i1
        %and3A = arith.andi %ne3A_58, %ne3A_54 : i1
        %add3A_59 = arith.addi %rem3A, %select_n3A : i32
        %select_n3A_60 = arith.select %and3A, %add3A_59, %rem3A : i32
        %eq3A_61 = arith.constant 0 : i32
        %eq3A_62 = arith.cmpi eq, %select_n3A_60, %eq3A_61 : i32
        %convert_element_type3A = arith.extui %eq3A_62 : i1 to i32
        %cond3A = arith.constant 0 : i32
        %cond3A_63 = arith.cmpi ne, %convert_element_type3A, %cond3A : i32
        scf.if %cond3A_63 {
          %jit3A_144 = arith.constant 2 : i32
          %div3A_145 = arith.divsi %add3A_51, %jit3A_144 : i32
          %sign3A_146 = arith.constant 0 : i32
          %sign3A_147 = arith.cmpi sgt, %add3A_51, %sign3A_146 : i32
          %sign3A_148 = arith.extui %sign3A_147 : i1 to i32
          %sign3A_149 = arith.constant 0 : i32
          %sign3A_150 = arith.cmpi slt, %add3A_51, %sign3A_149 : i32
          %sign3A_151 = arith.extui %sign3A_150 : i1 to i32
          %sign3A_152 = arith.subi %sign3A_148, %sign3A_151 : i32
          %sign3A_153 = arith.constant 0 : i32
          %sign3A_154 = arith.cmpi sgt, %jit3A_144, %sign3A_153 : i32
          %sign3A_155 = arith.extui %sign3A_154 : i1 to i32
          %sign3A_156 = arith.constant 0 : i32
          %sign3A_157 = arith.cmpi slt, %jit3A_144, %sign3A_156 : i32
          %sign3A_158 = arith.extui %sign3A_157 : i1 to i32
          %sign3A_159 = arith.subi %sign3A_155, %sign3A_158 : i32
          %ne3A_160 = arith.cmpi ne, %sign3A_152, %sign3A_159 : i32
          %rem3A_161 = arith.remsi %add3A_51, %jit3A_144 : i32
          %ne3A_162 = arith.constant 0 : i32
          %ne3A_163 = arith.cmpi ne, %rem3A_161, %ne3A_162 : i32
          %and3A_164 = arith.andi %ne3A_160, %ne3A_163 : i1
          %sub3A_165 = arith.constant 1 : i32
          %sub3A_166 = arith.subi %div3A_145, %sub3A_165 : i32
          %select_n3A_167 = arith.select %and3A_164, %sub3A_166, %div3A_145 : i32
          %jit3A_168 = arith.constant 2 : i32
          %eq3A_169 = arith.constant 0 : i32
          %eq3A_170 = arith.cmpi eq, %jit3A_168, %eq3A_169 : i32
          %jit3A_171 = arith.constant 1 : i32
          %select_n3A_172 = arith.select %eq3A_170, %jit3A_171, %jit3A_168 : i32
          %rem3A_173 = arith.remsi %add3A_51, %select_n3A_172 : i32
          %ne3A_174 = arith.constant 0 : i32
          %ne3A_175 = arith.cmpi ne, %rem3A_173, %ne3A_174 : i32
          %lt3A_176 = arith.constant 0 : i32
          %lt3A_177 = arith.cmpi slt, %rem3A_173, %lt3A_176 : i32
          %lt3A_178 = arith.constant 0 : i32
          %lt3A_179 = arith.cmpi slt, %select_n3A_172, %lt3A_178 : i32
          %ne3A_180 = arith.xori %lt3A_177, %lt3A_179 : i1
          %and3A_181 = arith.andi %ne3A_180, %ne3A_175 : i1
          %add3A_182 = arith.addi %rem3A_173, %select_n3A_172 : i32
          %select_n3A_183 = arith.select %and3A_181, %add3A_182, %rem3A_173 : i32
          %mul3A_184 = arith.constant 64 : i32
          %mul3A_185 = arith.muli %select_n3A_183, %mul3A_184 : i32
          %dma_wait3A = arith.constant 0 : i32
          %dma_wait3A_186 = arith.constant 0 : i32
          %dma_wait3A_187 = arith.constant 0 : i32
          %dma_wait3A_188 = arith.constant 0 : i32
          %dma_wait3A_189 = tpu.memref_slice %run_scoped3A_4[%dma_wait3A_186, %dma_wait3A_187, %dma_wait3A_188] : memref<3x64x128xf32, #tpu.memory_space<vmem>> -> memref<1x64x128xf32, #tpu.memory_space<vmem>>
          %dma_wait3A_190 = tpu.memref_squeeze %dma_wait3A_189 : memref<1x64x128xf32, #tpu.memory_space<vmem>> -> memref<64x128xf32, #tpu.memory_space<vmem>>
          %dma_wait3A_191 = tpu.memref_slice %run_scoped3A[%select_n3A_167, %dma_wait3A, %mul3A_185] : memref<79x2x128xi32, #tpu.memory_space<vmem>> -> memref<1x1x64xi32, #tpu.memory_space<vmem>>
          %dma_wait3A_192 = tpu.memref_squeeze %dma_wait3A_191 : memref<1x1x64xi32, #tpu.memory_space<vmem>> -> memref<64xi32, #tpu.memory_space<vmem>>
          %dma_wait3A_193 = arith.constant 0 : i32
          %dma_wait3A_194 = arith.constant 0 : i32
          %dma_wait3A_195 = tpu.memref_slice %arg2[%dma_wait3A_193, %dma_wait3A_194] : memref<10240x128xf32, #tpu.memory_space<hbm>> -> memref<10240x128xf32, #tpu.memory_space<hbm>>
          tpu.wait_indirect_dma semaphore(%arg7 : memref<!tpu.dma_semaphore, #tpu.memory_space<semaphore_mem>>) src(%dma_wait3A_195 : memref<10240x128xf32, #tpu.memory_space<hbm>>) dst(%dma_wait3A_190 : memref<64x128xf32, #tpu.memory_space<vmem>>)
        } else {
        }
        %eq3A_64 = arith.constant 1 : i32
        %eq3A_65 = arith.cmpi eq, %select_n3A_60, %eq3A_64 : i32
        %convert_element_type3A_66 = arith.extui %eq3A_65 : i1 to i32
        %cond3A_67 = arith.constant 0 : i32
        %cond3A_68 = arith.cmpi ne, %convert_element_type3A_66, %cond3A_67 : i32
        scf.if %cond3A_68 {
          %jit3A_144 = arith.constant 2 : i32
          %div3A_145 = arith.divsi %add3A_51, %jit3A_144 : i32
          %sign3A_146 = arith.constant 0 : i32
          %sign3A_147 = arith.cmpi sgt, %add3A_51, %sign3A_146 : i32
          %sign3A_148 = arith.extui %sign3A_147 : i1 to i32
          %sign3A_149 = arith.constant 0 : i32
          %sign3A_150 = arith.cmpi slt, %add3A_51, %sign3A_149 : i32
          %sign3A_151 = arith.extui %sign3A_150 : i1 to i32
          %sign3A_152 = arith.subi %sign3A_148, %sign3A_151 : i32
          %sign3A_153 = arith.constant 0 : i32
          %sign3A_154 = arith.cmpi sgt, %jit3A_144, %sign3A_153 : i32
          %sign3A_155 = arith.extui %sign3A_154 : i1 to i32
          %sign3A_156 = arith.constant 0 : i32
          %sign3A_157 = arith.cmpi slt, %jit3A_144, %sign3A_156 : i32
          %sign3A_158 = arith.extui %sign3A_157 : i1 to i32
          %sign3A_159 = arith.subi %sign3A_155, %sign3A_158 : i32
          %ne3A_160 = arith.cmpi ne, %sign3A_152, %sign3A_159 : i32
          %rem3A_161 = arith.remsi %add3A_51, %jit3A_144 : i32
          %ne3A_162 = arith.constant 0 : i32
          %ne3A_163 = arith.cmpi ne, %rem3A_161, %ne3A_162 : i32
          %and3A_164 = arith.andi %ne3A_160, %ne3A_163 : i1
          %sub3A_165 = arith.constant 1 : i32
          %sub3A_166 = arith.subi %div3A_145, %sub3A_165 : i32
          %select_n3A_167 = arith.select %and3A_164, %sub3A_166, %div3A_145 : i32
          %jit3A_168 = arith.constant 2 : i32
          %eq3A_169 = arith.constant 0 : i32
          %eq3A_170 = arith.cmpi eq, %jit3A_168, %eq3A_169 : i32
          %jit3A_171 = arith.constant 1 : i32
          %select_n3A_172 = arith.select %eq3A_170, %jit3A_171, %jit3A_168 : i32
          %rem3A_173 = arith.remsi %add3A_51, %select_n3A_172 : i32
          %ne3A_174 = arith.constant 0 : i32
          %ne3A_175 = arith.cmpi ne, %rem3A_173, %ne3A_174 : i32
          %lt3A_176 = arith.constant 0 : i32
          %lt3A_177 = arith.cmpi slt, %rem3A_173, %lt3A_176 : i32
          %lt3A_178 = arith.constant 0 : i32
          %lt3A_179 = arith.cmpi slt, %select_n3A_172, %lt3A_178 : i32
          %ne3A_180 = arith.xori %lt3A_177, %lt3A_179 : i1
          %and3A_181 = arith.andi %ne3A_180, %ne3A_175 : i1
          %add3A_182 = arith.addi %rem3A_173, %select_n3A_172 : i32
          %select_n3A_183 = arith.select %and3A_181, %add3A_182, %rem3A_173 : i32
          %mul3A_184 = arith.constant 64 : i32
          %mul3A_185 = arith.muli %select_n3A_183, %mul3A_184 : i32
          %dma_wait3A = arith.constant 0 : i32
          %dma_wait3A_186 = arith.constant 1 : i32
          %dma_wait3A_187 = arith.constant 0 : i32
          %dma_wait3A_188 = arith.constant 0 : i32
          %dma_wait3A_189 = tpu.memref_slice %run_scoped3A_4[%dma_wait3A_186, %dma_wait3A_187, %dma_wait3A_188] : memref<3x64x128xf32, #tpu.memory_space<vmem>> -> memref<1x64x128xf32, #tpu.memory_space<vmem>>
          %dma_wait3A_190 = tpu.memref_squeeze %dma_wait3A_189 : memref<1x64x128xf32, #tpu.memory_space<vmem>> -> memref<64x128xf32, #tpu.memory_space<vmem>>
          %dma_wait3A_191 = tpu.memref_slice %run_scoped3A[%select_n3A_167, %dma_wait3A, %mul3A_185] : memref<79x2x128xi32, #tpu.memory_space<vmem>> -> memref<1x1x64xi32, #tpu.memory_space<vmem>>
          %dma_wait3A_192 = tpu.memref_squeeze %dma_wait3A_191 : memref<1x1x64xi32, #tpu.memory_space<vmem>> -> memref<64xi32, #tpu.memory_space<vmem>>
          %dma_wait3A_193 = arith.constant 0 : i32
          %dma_wait3A_194 = arith.constant 0 : i32
          %dma_wait3A_195 = tpu.memref_slice %arg2[%dma_wait3A_193, %dma_wait3A_194] : memref<10240x128xf32, #tpu.memory_space<hbm>> -> memref<10240x128xf32, #tpu.memory_space<hbm>>
          tpu.wait_indirect_dma semaphore(%arg8 : memref<!tpu.dma_semaphore, #tpu.memory_space<semaphore_mem>>) src(%dma_wait3A_195 : memref<10240x128xf32, #tpu.memory_space<hbm>>) dst(%dma_wait3A_190 : memref<64x128xf32, #tpu.memory_space<vmem>>)
        } else {
        }
        %eq3A_69 = arith.constant 2 : i32
        %eq3A_70 = arith.cmpi eq, %select_n3A_60, %eq3A_69 : i32
        %convert_element_type3A_71 = arith.extui %eq3A_70 : i1 to i32
        %cond3A_72 = arith.constant 0 : i32
        %cond3A_73 = arith.cmpi ne, %convert_element_type3A_71, %cond3A_72 : i32
        scf.if %cond3A_73 {
          %jit3A_144 = arith.constant 2 : i32
          %div3A_145 = arith.divsi %add3A_51, %jit3A_144 : i32
          %sign3A_146 = arith.constant 0 : i32
          %sign3A_147 = arith.cmpi sgt, %add3A_51, %sign3A_146 : i32
          %sign3A_148 = arith.extui %sign3A_147 : i1 to i32
          %sign3A_149 = arith.constant 0 : i32
          %sign3A_150 = arith.cmpi slt, %add3A_51, %sign3A_149 : i32
          %sign3A_151 = arith.extui %sign3A_150 : i1 to i32
          %sign3A_152 = arith.subi %sign3A_148, %sign3A_151 : i32
          %sign3A_153 = arith.constant 0 : i32
          %sign3A_154 = arith.cmpi sgt, %jit3A_144, %sign3A_153 : i32
          %sign3A_155 = arith.extui %sign3A_154 : i1 to i32
          %sign3A_156 = arith.constant 0 : i32
          %sign3A_157 = arith.cmpi slt, %jit3A_144, %sign3A_156 : i32
          %sign3A_158 = arith.extui %sign3A_157 : i1 to i32
          %sign3A_159 = arith.subi %sign3A_155, %sign3A_158 : i32
          %ne3A_160 = arith.cmpi ne, %sign3A_152, %sign3A_159 : i32
          %rem3A_161 = arith.remsi %add3A_51, %jit3A_144 : i32
          %ne3A_162 = arith.constant 0 : i32
          %ne3A_163 = arith.cmpi ne, %rem3A_161, %ne3A_162 : i32
          %and3A_164 = arith.andi %ne3A_160, %ne3A_163 : i1
          %sub3A_165 = arith.constant 1 : i32
          %sub3A_166 = arith.subi %div3A_145, %sub3A_165 : i32
          %select_n3A_167 = arith.select %and3A_164, %sub3A_166, %div3A_145 : i32
          %jit3A_168 = arith.constant 2 : i32
          %eq3A_169 = arith.constant 0 : i32
          %eq3A_170 = arith.cmpi eq, %jit3A_168, %eq3A_169 : i32
          %jit3A_171 = arith.constant 1 : i32
          %select_n3A_172 = arith.select %eq3A_170, %jit3A_171, %jit3A_168 : i32
          %rem3A_173 = arith.remsi %add3A_51, %select_n3A_172 : i32
          %ne3A_174 = arith.constant 0 : i32
          %ne3A_175 = arith.cmpi ne, %rem3A_173, %ne3A_174 : i32
          %lt3A_176 = arith.constant 0 : i32
          %lt3A_177 = arith.cmpi slt, %rem3A_173, %lt3A_176 : i32
          %lt3A_178 = arith.constant 0 : i32
          %lt3A_179 = arith.cmpi slt, %select_n3A_172, %lt3A_178 : i32
          %ne3A_180 = arith.xori %lt3A_177, %lt3A_179 : i1
          %and3A_181 = arith.andi %ne3A_180, %ne3A_175 : i1
          %add3A_182 = arith.addi %rem3A_173, %select_n3A_172 : i32
          %select_n3A_183 = arith.select %and3A_181, %add3A_182, %rem3A_173 : i32
          %mul3A_184 = arith.constant 64 : i32
          %mul3A_185 = arith.muli %select_n3A_183, %mul3A_184 : i32
          %dma_wait3A = arith.constant 0 : i32
          %dma_wait3A_186 = arith.constant 2 : i32
          %dma_wait3A_187 = arith.constant 0 : i32
          %dma_wait3A_188 = arith.constant 0 : i32
          %dma_wait3A_189 = tpu.memref_slice %run_scoped3A_4[%dma_wait3A_186, %dma_wait3A_187, %dma_wait3A_188] : memref<3x64x128xf32, #tpu.memory_space<vmem>> -> memref<1x64x128xf32, #tpu.memory_space<vmem>>
          %dma_wait3A_190 = tpu.memref_squeeze %dma_wait3A_189 : memref<1x64x128xf32, #tpu.memory_space<vmem>> -> memref<64x128xf32, #tpu.memory_space<vmem>>
          %dma_wait3A_191 = tpu.memref_slice %run_scoped3A[%select_n3A_167, %dma_wait3A, %mul3A_185] : memref<79x2x128xi32, #tpu.memory_space<vmem>> -> memref<1x1x64xi32, #tpu.memory_space<vmem>>
          %dma_wait3A_192 = tpu.memref_squeeze %dma_wait3A_191 : memref<1x1x64xi32, #tpu.memory_space<vmem>> -> memref<64xi32, #tpu.memory_space<vmem>>
          %dma_wait3A_193 = arith.constant 0 : i32
          %dma_wait3A_194 = arith.constant 0 : i32
          %dma_wait3A_195 = tpu.memref_slice %arg2[%dma_wait3A_193, %dma_wait3A_194] : memref<10240x128xf32, #tpu.memory_space<hbm>> -> memref<10240x128xf32, #tpu.memory_space<hbm>>
          tpu.wait_indirect_dma semaphore(%arg9 : memref<!tpu.dma_semaphore, #tpu.memory_space<semaphore_mem>>) src(%dma_wait3A_195 : memref<10240x128xf32, #tpu.memory_space<hbm>>) dst(%dma_wait3A_190 : memref<64x128xf32, #tpu.memory_space<vmem>>)
        } else {
        }
        %jit3A_74 = arith.constant 2 : i32
        %div3A = arith.divsi %add3A_51, %jit3A_74 : i32
        %sign3A = arith.constant 0 : i32
        %sign3A_75 = arith.cmpi sgt, %add3A_51, %sign3A : i32
        %sign3A_76 = arith.extui %sign3A_75 : i1 to i32
        %sign3A_77 = arith.constant 0 : i32
        %sign3A_78 = arith.cmpi slt, %add3A_51, %sign3A_77 : i32
        %sign3A_79 = arith.extui %sign3A_78 : i1 to i32
        %sign3A_80 = arith.subi %sign3A_76, %sign3A_79 : i32
        %sign3A_81 = arith.constant 0 : i32
        %sign3A_82 = arith.cmpi sgt, %jit3A_74, %sign3A_81 : i32
        %sign3A_83 = arith.extui %sign3A_82 : i1 to i32
        %sign3A_84 = arith.constant 0 : i32
        %sign3A_85 = arith.cmpi slt, %jit3A_74, %sign3A_84 : i32
        %sign3A_86 = arith.extui %sign3A_85 : i1 to i32
        %sign3A_87 = arith.subi %sign3A_83, %sign3A_86 : i32
        %ne3A_88 = arith.cmpi ne, %sign3A_80, %sign3A_87 : i32
        %rem3A_89 = arith.remsi %add3A_51, %jit3A_74 : i32
        %ne3A_90 = arith.constant 0 : i32
        %ne3A_91 = arith.cmpi ne, %rem3A_89, %ne3A_90 : i32
        %and3A_92 = arith.andi %ne3A_88, %ne3A_91 : i1
        %sub3A = arith.constant 1 : i32
        %sub3A_93 = arith.subi %div3A, %sub3A : i32
        %select_n3A_94 = arith.select %and3A_92, %sub3A_93, %div3A : i32
        %jit3A_95 = arith.constant 2 : i32
        %eq3A_96 = arith.constant 0 : i32
        %eq3A_97 = arith.cmpi eq, %jit3A_95, %eq3A_96 : i32
        %jit3A_98 = arith.constant 1 : i32
        %select_n3A_99 = arith.select %eq3A_97, %jit3A_98, %jit3A_95 : i32
        %rem3A_100 = arith.remsi %add3A_51, %select_n3A_99 : i32
        %ne3A_101 = arith.constant 0 : i32
        %ne3A_102 = arith.cmpi ne, %rem3A_100, %ne3A_101 : i32
        %lt3A_103 = arith.constant 0 : i32
        %lt3A_104 = arith.cmpi slt, %rem3A_100, %lt3A_103 : i32
        %lt3A_105 = arith.constant 0 : i32
        %lt3A_106 = arith.cmpi slt, %select_n3A_99, %lt3A_105 : i32
        %ne3A_107 = arith.xori %lt3A_104, %lt3A_106 : i1
        %and3A_108 = arith.andi %ne3A_107, %ne3A_102 : i1
        %add3A_109 = arith.addi %rem3A_100, %select_n3A_99 : i32
        %select_n3A_110 = arith.select %and3A_108, %add3A_109, %rem3A_100 : i32
        %mul3A_111 = arith.constant 64 : i32
        %mul3A_112 = arith.muli %select_n3A_110, %mul3A_111 : i32
        %run_scoped3A_113 = arith.constant 1 : i32
        "tpu.region"() ({
          %run_scoped3A_144 = tpu.sem_alloc : memref<!tpu.dma_semaphore, #tpu.memory_space<semaphore_mem>>
          %dma_start3A_145 = arith.constant 0 : i32
          %dma_start3A_146 = arith.constant 0 : i32
          %dma_start3A_147 = tpu.memref_slice %run_scoped3A_4[%select_n3A_60, %dma_start3A_145, %dma_start3A_146] : memref<3x64x128xf32, #tpu.memory_space<vmem>> -> memref<1x64x128xf32, #tpu.memory_space<vmem>>
          %dma_start3A_148 = tpu.memref_squeeze %dma_start3A_147 : memref<1x64x128xf32, #tpu.memory_space<vmem>> -> memref<64x128xf32, #tpu.memory_space<vmem>>
          %dma_start3A_149 = tpu.memref_slice %run_scoped3A[%select_n3A_94, %run_scoped3A_113, %mul3A_112] : memref<79x2x128xi32, #tpu.memory_space<vmem>> -> memref<1x1x64xi32, #tpu.memory_space<vmem>>
          %dma_start3A_150 = tpu.memref_squeeze %dma_start3A_149 : memref<1x1x64xi32, #tpu.memory_space<vmem>> -> memref<64xi32, #tpu.memory_space<vmem>>
          %dma_start3A_151 = arith.constant 0 : i32
          %dma_start3A_152 = arith.constant 0 : i32
          %dma_start3A_153 = tpu.memref_slice %arg6[%dma_start3A_151, %dma_start3A_152] : memref<10240x128xf32, #tpu.memory_space<vmem_shared>> -> memref<10240x128xf32, #tpu.memory_space<vmem_shared>>
          tpu.enqueue_indirect_dma source(%dma_start3A_148 : memref<64x128xf32, #tpu.memory_space<vmem>>) target(%dma_start3A_153 : memref<10240x128xf32, #tpu.memory_space<vmem_shared>>) offsets(%dma_start3A_150 : memref<64xi32, #tpu.memory_space<vmem>>) semaphore(%run_scoped3A_144 : memref<!tpu.dma_semaphore, #tpu.memory_space<semaphore_mem>>) {add = true}
          %dma_wait3A = arith.constant 0 : i32
          %dma_wait3A_154 = arith.constant 0 : i32
          %dma_wait3A_155 = tpu.memref_slice %run_scoped3A_4[%select_n3A_60, %dma_wait3A, %dma_wait3A_154] : memref<3x64x128xf32, #tpu.memory_space<vmem>> -> memref<1x64x128xf32, #tpu.memory_space<vmem>>
          %dma_wait3A_156 = tpu.memref_squeeze %dma_wait3A_155 : memref<1x64x128xf32, #tpu.memory_space<vmem>> -> memref<64x128xf32, #tpu.memory_space<vmem>>
          %dma_wait3A_157 = tpu.memref_slice %run_scoped3A[%select_n3A_94, %run_scoped3A_113, %mul3A_112] : memref<79x2x128xi32, #tpu.memory_space<vmem>> -> memref<1x1x64xi32, #tpu.memory_space<vmem>>
          %dma_wait3A_158 = tpu.memref_squeeze %dma_wait3A_157 : memref<1x1x64xi32, #tpu.memory_space<vmem>> -> memref<64xi32, #tpu.memory_space<vmem>>
          %dma_wait3A_159 = arith.constant 0 : i32
          %dma_wait3A_160 = arith.constant 0 : i32
          %dma_wait3A_161 = tpu.memref_slice %arg6[%dma_wait3A_159, %dma_wait3A_160] : memref<10240x128xf32, #tpu.memory_space<vmem_shared>> -> memref<10240x128xf32, #tpu.memory_space<vmem_shared>>
          tpu.wait_indirect_dma semaphore(%run_scoped3A_144 : memref<!tpu.dma_semaphore, #tpu.memory_space<semaphore_mem>>) src(%dma_wait3A_156 : memref<64x128xf32, #tpu.memory_space<vmem>>) dst(%dma_wait3A_161 : memref<10240x128xf32, #tpu.memory_space<vmem_shared>>)
          tpu.yield
        }) : () -> ()
        %add3A_114 = arith.constant 3 : i32
        %add3A_115 = arith.addi %add3A_51, %add3A_114 : i32
        %lt3A_116 = arith.constant 158 : i32
        %lt3A_117 = arith.cmpi slt, %add3A_115, %lt3A_116 : i32
        %eq3A_118 = arith.constant 0 : i32
        %eq3A_119 = arith.cmpi eq, %select_n3A_60, %eq3A_118 : i32
        %and3A_120 = arith.andi %lt3A_117, %eq3A_119 : i1
        %convert_element_type3A_121 = arith.extui %and3A_120 : i1 to i32
        %cond3A_122 = arith.constant 0 : i32
        %cond3A_123 = arith.cmpi ne, %convert_element_type3A_121, %cond3A_122 : i32
        scf.if %cond3A_123 {
          %add3A_144 = arith.constant 3 : i32
          %add3A_145 = arith.addi %add3A_51, %add3A_144 : i32
          %jit3A_146 = arith.constant 2 : i32
          %div3A_147 = arith.divsi %add3A_145, %jit3A_146 : i32
          %sign3A_148 = arith.constant 0 : i32
          %sign3A_149 = arith.cmpi sgt, %add3A_145, %sign3A_148 : i32
          %sign3A_150 = arith.extui %sign3A_149 : i1 to i32
          %sign3A_151 = arith.constant 0 : i32
          %sign3A_152 = arith.cmpi slt, %add3A_145, %sign3A_151 : i32
          %sign3A_153 = arith.extui %sign3A_152 : i1 to i32
          %sign3A_154 = arith.subi %sign3A_150, %sign3A_153 : i32
          %sign3A_155 = arith.constant 0 : i32
          %sign3A_156 = arith.cmpi sgt, %jit3A_146, %sign3A_155 : i32
          %sign3A_157 = arith.extui %sign3A_156 : i1 to i32
          %sign3A_158 = arith.constant 0 : i32
          %sign3A_159 = arith.cmpi slt, %jit3A_146, %sign3A_158 : i32
          %sign3A_160 = arith.extui %sign3A_159 : i1 to i32
          %sign3A_161 = arith.subi %sign3A_157, %sign3A_160 : i32
          %ne3A_162 = arith.cmpi ne, %sign3A_154, %sign3A_161 : i32
          %rem3A_163 = arith.remsi %add3A_145, %jit3A_146 : i32
          %ne3A_164 = arith.constant 0 : i32
          %ne3A_165 = arith.cmpi ne, %rem3A_163, %ne3A_164 : i32
          %and3A_166 = arith.andi %ne3A_162, %ne3A_165 : i1
          %sub3A_167 = arith.constant 1 : i32
          %sub3A_168 = arith.subi %div3A_147, %sub3A_167 : i32
          %select_n3A_169 = arith.select %and3A_166, %sub3A_168, %div3A_147 : i32
          %jit3A_170 = arith.constant 2 : i32
          %eq3A_171 = arith.constant 0 : i32
          %eq3A_172 = arith.cmpi eq, %jit3A_170, %eq3A_171 : i32
          %jit3A_173 = arith.constant 1 : i32
          %select_n3A_174 = arith.select %eq3A_172, %jit3A_173, %jit3A_170 : i32
          %rem3A_175 = arith.remsi %add3A_145, %select_n3A_174 : i32
          %ne3A_176 = arith.constant 0 : i32
          %ne3A_177 = arith.cmpi ne, %rem3A_175, %ne3A_176 : i32
          %lt3A_178 = arith.constant 0 : i32
          %lt3A_179 = arith.cmpi slt, %rem3A_175, %lt3A_178 : i32
          %lt3A_180 = arith.constant 0 : i32
          %lt3A_181 = arith.cmpi slt, %select_n3A_174, %lt3A_180 : i32
          %ne3A_182 = arith.xori %lt3A_179, %lt3A_181 : i1
          %and3A_183 = arith.andi %ne3A_182, %ne3A_177 : i1
          %add3A_184 = arith.addi %rem3A_175, %select_n3A_174 : i32
          %select_n3A_185 = arith.select %and3A_183, %add3A_184, %rem3A_175 : i32
          %mul3A_186 = arith.constant 64 : i32
          %mul3A_187 = arith.muli %select_n3A_185, %mul3A_186 : i32
          %dma_start3A_188 = arith.constant 0 : i32
          %dma_start3A_189 = arith.constant 0 : i32
          %dma_start3A_190 = arith.constant 0 : i32
          %dma_start3A_191 = arith.constant 0 : i32
          %dma_start3A_192 = tpu.memref_slice %run_scoped3A_4[%dma_start3A_189, %dma_start3A_190, %dma_start3A_191] : memref<3x64x128xf32, #tpu.memory_space<vmem>> -> memref<1x64x128xf32, #tpu.memory_space<vmem>>
          %dma_start3A_193 = tpu.memref_squeeze %dma_start3A_192 : memref<1x64x128xf32, #tpu.memory_space<vmem>> -> memref<64x128xf32, #tpu.memory_space<vmem>>
          %dma_start3A_194 = tpu.memref_slice %run_scoped3A[%select_n3A_169, %dma_start3A_188, %mul3A_187] : memref<79x2x128xi32, #tpu.memory_space<vmem>> -> memref<1x1x64xi32, #tpu.memory_space<vmem>>
          %dma_start3A_195 = tpu.memref_squeeze %dma_start3A_194 : memref<1x1x64xi32, #tpu.memory_space<vmem>> -> memref<64xi32, #tpu.memory_space<vmem>>
          %dma_start3A_196 = arith.constant 0 : i32
          %dma_start3A_197 = arith.constant 0 : i32
          %dma_start3A_198 = tpu.memref_slice %arg2[%dma_start3A_196, %dma_start3A_197] : memref<10240x128xf32, #tpu.memory_space<hbm>> -> memref<10240x128xf32, #tpu.memory_space<hbm>>
          tpu.enqueue_indirect_dma source(%dma_start3A_198 : memref<10240x128xf32, #tpu.memory_space<hbm>>) target(%dma_start3A_193 : memref<64x128xf32, #tpu.memory_space<vmem>>) offsets(%dma_start3A_195 : memref<64xi32, #tpu.memory_space<vmem>>) semaphore(%arg7 : memref<!tpu.dma_semaphore, #tpu.memory_space<semaphore_mem>>)
        } else {
        }
        %add3A_124 = arith.constant 3 : i32
        %add3A_125 = arith.addi %add3A_51, %add3A_124 : i32
        %lt3A_126 = arith.constant 158 : i32
        %lt3A_127 = arith.cmpi slt, %add3A_125, %lt3A_126 : i32
        %eq3A_128 = arith.constant 1 : i32
        %eq3A_129 = arith.cmpi eq, %select_n3A_60, %eq3A_128 : i32
        %and3A_130 = arith.andi %lt3A_127, %eq3A_129 : i1
        %convert_element_type3A_131 = arith.extui %and3A_130 : i1 to i32
        %cond3A_132 = arith.constant 0 : i32
        %cond3A_133 = arith.cmpi ne, %convert_element_type3A_131, %cond3A_132 : i32
        scf.if %cond3A_133 {
          %add3A_144 = arith.constant 3 : i32
          %add3A_145 = arith.addi %add3A_51, %add3A_144 : i32
          %jit3A_146 = arith.constant 2 : i32
          %div3A_147 = arith.divsi %add3A_145, %jit3A_146 : i32
          %sign3A_148 = arith.constant 0 : i32
          %sign3A_149 = arith.cmpi sgt, %add3A_145, %sign3A_148 : i32
          %sign3A_150 = arith.extui %sign3A_149 : i1 to i32
          %sign3A_151 = arith.constant 0 : i32
          %sign3A_152 = arith.cmpi slt, %add3A_145, %sign3A_151 : i32
          %sign3A_153 = arith.extui %sign3A_152 : i1 to i32
          %sign3A_154 = arith.subi %sign3A_150, %sign3A_153 : i32
          %sign3A_155 = arith.constant 0 : i32
          %sign3A_156 = arith.cmpi sgt, %jit3A_146, %sign3A_155 : i32
          %sign3A_157 = arith.extui %sign3A_156 : i1 to i32
          %sign3A_158 = arith.constant 0 : i32
          %sign3A_159 = arith.cmpi slt, %jit3A_146, %sign3A_158 : i32
          %sign3A_160 = arith.extui %sign3A_159 : i1 to i32
          %sign3A_161 = arith.subi %sign3A_157, %sign3A_160 : i32
          %ne3A_162 = arith.cmpi ne, %sign3A_154, %sign3A_161 : i32
          %rem3A_163 = arith.remsi %add3A_145, %jit3A_146 : i32
          %ne3A_164 = arith.constant 0 : i32
          %ne3A_165 = arith.cmpi ne, %rem3A_163, %ne3A_164 : i32
          %and3A_166 = arith.andi %ne3A_162, %ne3A_165 : i1
          %sub3A_167 = arith.constant 1 : i32
          %sub3A_168 = arith.subi %div3A_147, %sub3A_167 : i32
          %select_n3A_169 = arith.select %and3A_166, %sub3A_168, %div3A_147 : i32
          %jit3A_170 = arith.constant 2 : i32
          %eq3A_171 = arith.constant 0 : i32
          %eq3A_172 = arith.cmpi eq, %jit3A_170, %eq3A_171 : i32
          %jit3A_173 = arith.constant 1 : i32
          %select_n3A_174 = arith.select %eq3A_172, %jit3A_173, %jit3A_170 : i32
          %rem3A_175 = arith.remsi %add3A_145, %select_n3A_174 : i32
          %ne3A_176 = arith.constant 0 : i32
          %ne3A_177 = arith.cmpi ne, %rem3A_175, %ne3A_176 : i32
          %lt3A_178 = arith.constant 0 : i32
          %lt3A_179 = arith.cmpi slt, %rem3A_175, %lt3A_178 : i32
          %lt3A_180 = arith.constant 0 : i32
          %lt3A_181 = arith.cmpi slt, %select_n3A_174, %lt3A_180 : i32
          %ne3A_182 = arith.xori %lt3A_179, %lt3A_181 : i1
          %and3A_183 = arith.andi %ne3A_182, %ne3A_177 : i1
          %add3A_184 = arith.addi %rem3A_175, %select_n3A_174 : i32
          %select_n3A_185 = arith.select %and3A_183, %add3A_184, %rem3A_175 : i32
          %mul3A_186 = arith.constant 64 : i32
          %mul3A_187 = arith.muli %select_n3A_185, %mul3A_186 : i32
          %dma_start3A_188 = arith.constant 0 : i32
          %dma_start3A_189 = arith.constant 1 : i32
          %dma_start3A_190 = arith.constant 0 : i32
          %dma_start3A_191 = arith.constant 0 : i32
          %dma_start3A_192 = tpu.memref_slice %run_scoped3A_4[%dma_start3A_189, %dma_start3A_190, %dma_start3A_191] : memref<3x64x128xf32, #tpu.memory_space<vmem>> -> memref<1x64x128xf32, #tpu.memory_space<vmem>>
          %dma_start3A_193 = tpu.memref_squeeze %dma_start3A_192 : memref<1x64x128xf32, #tpu.memory_space<vmem>> -> memref<64x128xf32, #tpu.memory_space<vmem>>
          %dma_start3A_194 = tpu.memref_slice %run_scoped3A[%select_n3A_169, %dma_start3A_188, %mul3A_187] : memref<79x2x128xi32, #tpu.memory_space<vmem>> -> memref<1x1x64xi32, #tpu.memory_space<vmem>>
          %dma_start3A_195 = tpu.memref_squeeze %dma_start3A_194 : memref<1x1x64xi32, #tpu.memory_space<vmem>> -> memref<64xi32, #tpu.memory_space<vmem>>
          %dma_start3A_196 = arith.constant 0 : i32
          %dma_start3A_197 = arith.constant 0 : i32
          %dma_start3A_198 = tpu.memref_slice %arg2[%dma_start3A_196, %dma_start3A_197] : memref<10240x128xf32, #tpu.memory_space<hbm>> -> memref<10240x128xf32, #tpu.memory_space<hbm>>
          tpu.enqueue_indirect_dma source(%dma_start3A_198 : memref<10240x128xf32, #tpu.memory_space<hbm>>) target(%dma_start3A_193 : memref<64x128xf32, #tpu.memory_space<vmem>>) offsets(%dma_start3A_195 : memref<64xi32, #tpu.memory_space<vmem>>) semaphore(%arg8 : memref<!tpu.dma_semaphore, #tpu.memory_space<semaphore_mem>>)
        } else {
        }
        %add3A_134 = arith.constant 3 : i32
        %add3A_135 = arith.addi %add3A_51, %add3A_134 : i32
        %lt3A_136 = arith.constant 158 : i32
        %lt3A_137 = arith.cmpi slt, %add3A_135, %lt3A_136 : i32
        %eq3A_138 = arith.constant 2 : i32
        %eq3A_139 = arith.cmpi eq, %select_n3A_60, %eq3A_138 : i32
        %and3A_140 = arith.andi %lt3A_137, %eq3A_139 : i1
        %convert_element_type3A_141 = arith.extui %and3A_140 : i1 to i32
        %cond3A_142 = arith.constant 0 : i32
        %cond3A_143 = arith.cmpi ne, %convert_element_type3A_141, %cond3A_142 : i32
        scf.if %cond3A_143 {
          %add3A_144 = arith.constant 3 : i32
          %add3A_145 = arith.addi %add3A_51, %add3A_144 : i32
          %jit3A_146 = arith.constant 2 : i32
          %div3A_147 = arith.divsi %add3A_145, %jit3A_146 : i32
          %sign3A_148 = arith.constant 0 : i32
          %sign3A_149 = arith.cmpi sgt, %add3A_145, %sign3A_148 : i32
          %sign3A_150 = arith.extui %sign3A_149 : i1 to i32
          %sign3A_151 = arith.constant 0 : i32
          %sign3A_152 = arith.cmpi slt, %add3A_145, %sign3A_151 : i32
          %sign3A_153 = arith.extui %sign3A_152 : i1 to i32
          %sign3A_154 = arith.subi %sign3A_150, %sign3A_153 : i32
          %sign3A_155 = arith.constant 0 : i32
          %sign3A_156 = arith.cmpi sgt, %jit3A_146, %sign3A_155 : i32
          %sign3A_157 = arith.extui %sign3A_156 : i1 to i32
          %sign3A_158 = arith.constant 0 : i32
          %sign3A_159 = arith.cmpi slt, %jit3A_146, %sign3A_158 : i32
          %sign3A_160 = arith.extui %sign3A_159 : i1 to i32
          %sign3A_161 = arith.subi %sign3A_157, %sign3A_160 : i32
          %ne3A_162 = arith.cmpi ne, %sign3A_154, %sign3A_161 : i32
          %rem3A_163 = arith.remsi %add3A_145, %jit3A_146 : i32
          %ne3A_164 = arith.constant 0 : i32
          %ne3A_165 = arith.cmpi ne, %rem3A_163, %ne3A_164 : i32
          %and3A_166 = arith.andi %ne3A_162, %ne3A_165 : i1
          %sub3A_167 = arith.constant 1 : i32
          %sub3A_168 = arith.subi %div3A_147, %sub3A_167 : i32
          %select_n3A_169 = arith.select %and3A_166, %sub3A_168, %div3A_147 : i32
          %jit3A_170 = arith.constant 2 : i32
          %eq3A_171 = arith.constant 0 : i32
          %eq3A_172 = arith.cmpi eq, %jit3A_170, %eq3A_171 : i32
          %jit3A_173 = arith.constant 1 : i32
          %select_n3A_174 = arith.select %eq3A_172, %jit3A_173, %jit3A_170 : i32
          %rem3A_175 = arith.remsi %add3A_145, %select_n3A_174 : i32
          %ne3A_176 = arith.constant 0 : i32
          %ne3A_177 = arith.cmpi ne, %rem3A_175, %ne3A_176 : i32
          %lt3A_178 = arith.constant 0 : i32
          %lt3A_179 = arith.cmpi slt, %rem3A_175, %lt3A_178 : i32
          %lt3A_180 = arith.constant 0 : i32
          %lt3A_181 = arith.cmpi slt, %select_n3A_174, %lt3A_180 : i32
          %ne3A_182 = arith.xori %lt3A_179, %lt3A_181 : i1
          %and3A_183 = arith.andi %ne3A_182, %ne3A_177 : i1
          %add3A_184 = arith.addi %rem3A_175, %select_n3A_174 : i32
          %select_n3A_185 = arith.select %and3A_183, %add3A_184, %rem3A_175 : i32
          %mul3A_186 = arith.constant 64 : i32
          %mul3A_187 = arith.muli %select_n3A_185, %mul3A_186 : i32
          %dma_start3A_188 = arith.constant 0 : i32
          %dma_start3A_189 = arith.constant 2 : i32
          %dma_start3A_190 = arith.constant 0 : i32
          %dma_start3A_191 = arith.constant 0 : i32
          %dma_start3A_192 = tpu.memref_slice %run_scoped3A_4[%dma_start3A_189, %dma_start3A_190, %dma_start3A_191] : memref<3x64x128xf32, #tpu.memory_space<vmem>> -> memref<1x64x128xf32, #tpu.memory_space<vmem>>
          %dma_start3A_193 = tpu.memref_squeeze %dma_start3A_192 : memref<1x64x128xf32, #tpu.memory_space<vmem>> -> memref<64x128xf32, #tpu.memory_space<vmem>>
          %dma_start3A_194 = tpu.memref_slice %run_scoped3A[%select_n3A_169, %dma_start3A_188, %mul3A_187] : memref<79x2x128xi32, #tpu.memory_space<vmem>> -> memref<1x1x64xi32, #tpu.memory_space<vmem>>
          %dma_start3A_195 = tpu.memref_squeeze %dma_start3A_194 : memref<1x1x64xi32, #tpu.memory_space<vmem>> -> memref<64xi32, #tpu.memory_space<vmem>>
          %dma_start3A_196 = arith.constant 0 : i32
          %dma_start3A_197 = arith.constant 0 : i32
          %dma_start3A_198 = tpu.memref_slice %arg2[%dma_start3A_196, %dma_start3A_197] : memref<10240x128xf32, #tpu.memory_space<hbm>> -> memref<10240x128xf32, #tpu.memory_space<hbm>>
          tpu.enqueue_indirect_dma source(%dma_start3A_198 : memref<10240x128xf32, #tpu.memory_space<hbm>>) target(%dma_start3A_193 : memref<64x128xf32, #tpu.memory_space<vmem>>) offsets(%dma_start3A_195 : memref<64xi32, #tpu.memory_space<vmem>>) semaphore(%arg9 : memref<!tpu.dma_semaphore, #tpu.memory_space<semaphore_mem>>)
        } else {
        }
      }
      %scan3A_46 = arith.constant 158 : i32
      tpu.yield
    }) : () -> ()
    %barrier3A_3 = arith.constant 0 : index
    tpu.barrier barrier_id(%barrier3A_3)
    "tpu.region"() ({
      %run_scoped3A = tpu.sem_alloc : memref<!tpu.dma_semaphore, #tpu.memory_space<semaphore_mem>>
      %dma_start3A = arith.constant 0 : i32
      %dma_start3A_4 = tpu.memref_slice %arg5[%arg0, %mul3A_2, %dma_start3A] : memref<2x10240x128xf32, #tpu.memory_space<hbm>> -> memref<1x640x128xf32, #tpu.memory_space<hbm>>
      %dma_start3A_5 = tpu.memref_squeeze %dma_start3A_4 : memref<1x640x128xf32, #tpu.memory_space<hbm>> -> memref<640x128xf32, #tpu.memory_space<hbm>>
      %dma_start3A_6 = arith.constant 0 : i32
      %dma_start3A_7 = tpu.memref_slice %arg6[%mul3A_2, %dma_start3A_6] : memref<10240x128xf32, #tpu.memory_space<vmem_shared>> -> memref<640x128xf32, #tpu.memory_space<vmem_shared>>
      tpu.enqueue_dma source(%dma_start3A_7 : memref<640x128xf32, #tpu.memory_space<vmem_shared>>) target(%dma_start3A_5 : memref<640x128xf32, #tpu.memory_space<hbm>>) target_semaphore(%run_scoped3A : memref<!tpu.dma_semaphore, #tpu.memory_space<semaphore_mem>>)
      %dma_wait3A = arith.constant 0 : i32
      %dma_wait3A_8 = tpu.memref_slice %arg5[%arg0, %mul3A_2, %dma_wait3A] : memref<2x10240x128xf32, #tpu.memory_space<hbm>> -> memref<1x640x128xf32, #tpu.memory_space<hbm>>
      %dma_wait3A_9 = tpu.memref_squeeze %dma_wait3A_8 : memref<1x640x128xf32, #tpu.memory_space<hbm>> -> memref<640x128xf32, #tpu.memory_space<hbm>>
      %dma_wait3A_10 = arith.constant 0 : i32
      %dma_wait3A_11 = tpu.memref_slice %arg6[%mul3A_2, %dma_wait3A_10] : memref<10240x128xf32, #tpu.memory_space<vmem_shared>> -> memref<640x128xf32, #tpu.memory_space<vmem_shared>>
      tpu.wait_dma2 semaphore(%run_scoped3A : memref<!tpu.dma_semaphore, #tpu.memory_space<semaphore_mem>>) src(%dma_wait3A_11 : memref<640x128xf32, #tpu.memory_space<vmem_shared>>) dst(%dma_wait3A_9 : memref<640x128xf32, #tpu.memory_space<hbm>>)
      tpu.yield
    }) : () -> ()
    return
  }
}

module attributes {stable_mosaic.version = 14 : i64} {
  func.func @_mm1_body(%arg0: i32, %arg1: memref<256x128xf32, #tpu.memory_space<vmem>>, %arg2: memref<128x128xf32, #tpu.memory_space<vmem>>, %arg3: memref<256x128xf32, #tpu.memory_space<vmem>>, %arg4: memref<256x64xf32, #tpu.memory_space<vmem>>) attributes {dimension_semantics = [#tpu.dimension_semantics<arbitrary>], iteration_bounds = array<i64: 40>, scalar_prefetch = 0 : i64, scratch_operands = 0 : i64, tpu.core_type = #tpu.core_type<tc>, window_params = [{transform_indices = @transform_0, window_bounds = array<i64: 256, 128>}, {pipeline_mode = #tpu.pipeline_mode<synchronous>, transform_indices = @transform_1, window_bounds = array<i64: 128, 128>}, {transform_indices = @transform_2, window_bounds = array<i64: 256, 128>}, {transform_indices = @transform_3, window_bounds = array<i64: 256, 64>}]} {
    %get3A = arith.constant 0 : index
    %get3A_0 = arith.constant 0 : index
    %get3A_1 = vector.load %arg1[%get3A, %get3A_0] : memref<256x128xf32, #tpu.memory_space<vmem>>, vector<256x128xf32>
    %get3A_2 = arith.constant 0 : index
    %get3A_3 = arith.constant 0 : index
    %get3A_4 = vector.load %arg2[%get3A_2, %get3A_3] : memref<128x128xf32, #tpu.memory_space<vmem>>, vector<128x128xf32>
    %dot_general3A = arith.constant dense<0.000000e+00> : vector<256x128xf32>
    %dot_general3A_5 = tpu.matmul %get3A_1, %get3A_4, %dot_general3A {dimension_numbers = #tpu.dot_dimension_numbers<[1], [0], [0], [1], [0, 0, 1, 1], [], []>, precision = #tpu.contract_precision<fp32>, transpose_lhs_hint = false} : vector<256x128xf32>, vector<128x128xf32>, vector<256x128xf32> -> vector<256x128xf32>
    %iota3A = tpu.iota {dimensions = array<i32: 1>} : vector<256x64xi32>
    %eq3A = arith.constant 0 : i32
    %eq3A_6 = vector.broadcast %eq3A : i32 to vector<256x64xi32>
    %eq3A_7 = arith.cmpi eq, %iota3A, %eq3A_6 : vector<256x64xi32>
    %jit3A = arith.constant 1.000000e+00 : f32
    %jit3A_8 = arith.constant 0.000000e+00 : f32
    %broadcast_in_dim3A = vector.broadcast %jit3A : f32 to vector<256x64xf32>
    %broadcast_in_dim3A_9 = vector.broadcast %jit3A_8 : f32 to vector<256x64xf32>
    %select_n3A = arith.select %eq3A_7, %broadcast_in_dim3A, %broadcast_in_dim3A_9 : vector<256x64xi1>, vector<256x64xf32>
    %slice3A = vector.extract_strided_slice %dot_general3A_5 {offsets = [0, 0], sizes = [256, 64], strides = [1, 1]} : vector<256x128xf32> to vector<256x64xf32>
    %concatenate3A = tpu.concatenate %slice3A, %select_n3A in 1 : vector<256x64xf32>, vector<256x64xf32> -> vector<256x128xf32>
    %swap3A = arith.constant 0 : index
    %swap3A_10 = arith.constant 0 : index
    %swap3A_11 = vector.load %arg3[%swap3A, %swap3A_10] : memref<256x128xf32, #tpu.memory_space<vmem>>, vector<256x128xf32>
    tpu.vector_store %arg3[%swap3A, %swap3A_10], %concatenate3A {strides = array<i32>} : memref<256x128xf32, #tpu.memory_space<vmem>>, vector<256x128xf32>,
    %slice3A_12 = vector.extract_strided_slice %dot_general3A_5 {offsets = [0, 64], sizes = [256, 64], strides = [1, 1]} : vector<256x128xf32> to vector<256x64xf32>
    %swap3A_13 = arith.constant 0 : index
    %swap3A_14 = arith.constant 0 : index
    %swap3A_15 = vector.load %arg4[%swap3A_13, %swap3A_14] : memref<256x64xf32, #tpu.memory_space<vmem>>, vector<256x64xf32>
    tpu.vector_store %arg4[%swap3A_13, %swap3A_14], %slice3A_12 {strides = array<i32>} : memref<256x64xf32, #tpu.memory_space<vmem>>, vector<256x64xf32>,
    return
  }
  func.func @transform_0(%arg0: i32) -> (i32, i32) {
    %c0_i32 = arith.constant 0 : i32
    %c0_i32_0 = arith.constant 0 : i32
    return %arg0, %c0_i32 : i32, i32
  }
  func.func @transform_1(%arg0: i32) -> (i32, i32) {
    %c0_i32 = arith.constant 0 : i32
    %c0_i32_0 = arith.constant 0 : i32
    %c0_i32_1 = arith.constant 0 : i32
    return %c0_i32, %c0_i32_0 : i32, i32
  }
  func.func @transform_2(%arg0: i32) -> (i32, i32) {
    %c0_i32 = arith.constant 0 : i32
    %c0_i32_0 = arith.constant 0 : i32
    return %arg0, %c0_i32 : i32, i32
  }
  func.func @transform_3(%arg0: i32) -> (i32, i32) {
    %c0_i32 = arith.constant 0 : i32
    %c0_i32_0 = arith.constant 0 : i32
    return %arg0, %c0_i32 : i32, i32
  }
}

module attributes {stable_mosaic.version = 14 : i64} {
  func.func @_mid_body(%arg0: i32, %arg1: memref<2x256x128xf32, #tpu.memory_space<vmem>>, %arg2: memref<256x64xf32, #tpu.memory_space<vmem>>, %arg3: memref<1x64xf32, #tpu.memory_space<vmem>>, %arg4: memref<64x64xf32, #tpu.memory_space<vmem>>, %arg5: memref<256x128xf32, #tpu.memory_space<vmem>>, %arg6: memref<256x32xf32, #tpu.memory_space<vmem>>, %arg7: memref<256x8xf32, #tpu.memory_space<vmem>>) attributes {dimension_semantics = [#tpu.dimension_semantics<arbitrary>], iteration_bounds = array<i64: 40>, scalar_prefetch = 0 : i64, scratch_operands = 0 : i64, tpu.core_type = #tpu.core_type<tc>, window_params = [{transform_indices = @transform_0, window_bounds = array<i64: 2, 256, 128>}, {transform_indices = @transform_1, window_bounds = array<i64: 256, 64>}, {pipeline_mode = #tpu.pipeline_mode<synchronous>, transform_indices = @transform_2, window_bounds = array<i64: 1, 64>}, {pipeline_mode = #tpu.pipeline_mode<synchronous>, transform_indices = @transform_3, window_bounds = array<i64: 64, 64>}, {transform_indices = @transform_4, window_bounds = array<i64: 256, 128>}, {transform_indices = @transform_5, window_bounds = array<i64: 256, 32>}, {transform_indices = @transform_6, window_bounds = array<i64: 256, 8>}]} {
    %get3A = arith.constant 0 : index
    %get3A_0 = arith.constant 0 : index
    %get3A_1 = arith.constant 0 : index
    %get3A_2 = vector.load %arg1[%get3A, %get3A_0, %get3A_1] : memref<2x256x128xf32, #tpu.memory_space<vmem>>, vector<1x256x128xf32>
    %get3A_3 = vector.shape_cast %get3A_2 : vector<1x256x128xf32> to vector<256x128xf32>
    %get3A_4 = arith.constant 1 : index
    %get3A_5 = arith.constant 0 : index
    %get3A_6 = arith.constant 0 : index
    %get3A_7 = vector.load %arg1[%get3A_4, %get3A_5, %get3A_6] : memref<2x256x128xf32, #tpu.memory_space<vmem>>, vector<1x256x128xf32>
    %get3A_8 = vector.shape_cast %get3A_7 : vector<1x256x128xf32> to vector<256x128xf32>
    %add3A = arith.addf %get3A_3, %get3A_8 : vector<256x128xf32>
    %slice3A = vector.extract_strided_slice %add3A {offsets = [0, 64], sizes = [256, 1], strides = [1, 1]} : vector<256x128xf32> to vector<256x1xf32>
    %max3A = arith.constant 1.000000e+00 : f32
    %max3A_9 = vector.broadcast %max3A : f32 to vector<256x1xf32>
    %max3A_10 = arith.maximumf %slice3A, %max3A_9 : vector<256x1xf32>
    %div3A = arith.constant 1.000000e+00 : f32
    %div3A_11 = vector.broadcast %div3A : f32 to vector<256x1xf32>
    %div3A_12 = arith.divf %div3A_11, %max3A_10 : vector<256x1xf32>
    %slice3A_13 = vector.extract_strided_slice %add3A {offsets = [0, 0], sizes = [256, 64], strides = [1, 1]} : vector<256x128xf32> to vector<256x64xf32>
    %mul3A = vector.broadcast %div3A_12 : vector<256x1xf32> to vector<256x64xf32>
    %mul3A_14 = arith.mulf %slice3A_13, %mul3A : vector<256x64xf32>
    %get3A_15 = arith.constant 0 : index
    %get3A_16 = arith.constant 0 : index
    %get3A_17 = vector.load %arg3[%get3A_15, %get3A_16] : memref<1x64xf32, #tpu.memory_space<vmem>>, vector<1x64xf32>
    %get3A_18 = vector.shape_cast %get3A_17 : vector<1x64xf32> to vector<64xf32>
    %broadcast_in_dim3A = vector.shape_cast %get3A_18 : vector<64xf32> to vector<1x64xf32>
    %add3A_19 = vector.broadcast %broadcast_in_dim3A : vector<1x64xf32> to vector<256x64xf32>
    %add3A_20 = arith.addf %mul3A_14, %add3A_19 : vector<256x64xf32>
    %get3A_21 = arith.constant 0 : index
    %get3A_22 = arith.constant 0 : index
    %get3A_23 = vector.load %arg2[%get3A_21, %get3A_22] : memref<256x64xf32, #tpu.memory_space<vmem>>, vector<256x64xf32>
    %add3A_24 = arith.addf %add3A_20, %get3A_23 : vector<256x64xf32>
    %max3A_25 = arith.constant 0.000000e+00 : f32
    %max3A_26 = vector.broadcast %max3A_25 : f32 to vector<256x64xf32>
    %max3A_27 = arith.maximumf %add3A_24, %max3A_26 : vector<256x64xf32>
    %get3A_28 = arith.constant 0 : index
    %get3A_29 = arith.constant 0 : index
    %get3A_30 = vector.load %arg4[%get3A_28, %get3A_29] : memref<64x64xf32, #tpu.memory_space<vmem>>, vector<64x64xf32>
    %dot_general3A = arith.constant dense<0.000000e+00> : vector<256x64xf32>
    %dot_general3A_31 = tpu.matmul %max3A_27, %get3A_30, %dot_general3A {dimension_numbers = #tpu.dot_dimension_numbers<[1], [0], [0], [1], [0, 0, 1, 1], [], []>, precision = #tpu.contract_precision<fp32>, transpose_lhs_hint = false} : vector<256x64xf32>, vector<64x64xf32>, vector<256x64xf32> -> vector<256x64xf32>
    %broadcast_in_dim3A_32 = arith.constant 0.000000e+00 : f32
    %broadcast_in_dim3A_33 = vector.broadcast %broadcast_in_dim3A_32 : f32 to vector<256x96xf32>
    %slice3A_34 = vector.extract_strided_slice %dot_general3A_31 {offsets = [0, 0], sizes = [256, 32], strides = [1, 1]} : vector<256x64xf32> to vector<256x32xf32>
    %concatenate3A = tpu.concatenate %slice3A_34, %broadcast_in_dim3A_33 in 1 : vector<256x32xf32>, vector<256x96xf32> -> vector<256x128xf32>
    %swap3A = arith.constant 0 : index
    %swap3A_35 = arith.constant 0 : index
    %swap3A_36 = vector.load %arg5[%swap3A, %swap3A_35] : memref<256x128xf32, #tpu.memory_space<vmem>>, vector<256x128xf32>
    tpu.vector_store %arg5[%swap3A, %swap3A_35], %concatenate3A {strides = array<i32>} : memref<256x128xf32, #tpu.memory_space<vmem>>, vector<256x128xf32>,
    %slice3A_37 = vector.extract_strided_slice %dot_general3A_31 {offsets = [0, 32], sizes = [256, 32], strides = [1, 1]} : vector<256x64xf32> to vector<256x32xf32>
    %swap3A_38 = arith.constant 0 : index
    %swap3A_39 = arith.constant 0 : index
    %swap3A_40 = vector.load %arg6[%swap3A_38, %swap3A_39] : memref<256x32xf32, #tpu.memory_space<vmem>>, vector<256x32xf32>
    tpu.vector_store %arg6[%swap3A_38, %swap3A_39], %slice3A_37 {strides = array<i32>} : memref<256x32xf32, #tpu.memory_space<vmem>>, vector<256x32xf32>,
    %broadcast_in_dim3A_41 = vector.shape_cast %div3A_12 : vector<256x1xf32> to vector<256x1xf32>
    %broadcast_in_dim3A_42 = vector.broadcast %broadcast_in_dim3A_41 : vector<256x1xf32> to vector<256x8xf32>
    %swap3A_43 = arith.constant 0 : index
    %swap3A_44 = arith.constant 0 : index
    %swap3A_45 = vector.load %arg7[%swap3A_43, %swap3A_44] : memref<256x8xf32, #tpu.memory_space<vmem>>, vector<256x8xf32>
    tpu.vector_store %arg7[%swap3A_43, %swap3A_44], %broadcast_in_dim3A_42 {strides = array<i32>} : memref<256x8xf32, #tpu.memory_space<vmem>>, vector<256x8xf32>,
    return
  }
  func.func @transform_0(%arg0: i32) -> (i32, i32, i32) {
    %c0_i32 = arith.constant 0 : i32
    %c0_i32_0 = arith.constant 0 : i32
    %c0_i32_1 = arith.constant 0 : i32
    return %c0_i32, %arg0, %c0_i32_0 : i32, i32, i32
  }
  func.func @transform_1(%arg0: i32) -> (i32, i32) {
    %c0_i32 = arith.constant 0 : i32
    %c0_i32_0 = arith.constant 0 : i32
    return %arg0, %c0_i32 : i32, i32
  }
  func.func @transform_2(%arg0: i32) -> (i32, i32) {
    %c0_i32 = arith.constant 0 : i32
    %c0_i32_0 = arith.constant 0 : i32
    %c0_i32_1 = arith.constant 0 : i32
    return %c0_i32, %c0_i32_0 : i32, i32
  }
  func.func @transform_3(%arg0: i32) -> (i32, i32) {
    %c0_i32 = arith.constant 0 : i32
    %c0_i32_0 = arith.constant 0 : i32
    %c0_i32_1 = arith.constant 0 : i32
    return %c0_i32, %c0_i32_0 : i32, i32
  }
  func.func @transform_4(%arg0: i32) -> (i32, i32) {
    %c0_i32 = arith.constant 0 : i32
    %c0_i32_0 = arith.constant 0 : i32
    return %arg0, %c0_i32 : i32, i32
  }
  func.func @transform_5(%arg0: i32) -> (i32, i32) {
    %c0_i32 = arith.constant 0 : i32
    %c0_i32_0 = arith.constant 0 : i32
    return %arg0, %c0_i32 : i32, i32
  }
  func.func @transform_6(%arg0: i32) -> (i32, i32) {
    %c0_i32 = arith.constant 0 : i32
    %c0_i32_0 = arith.constant 0 : i32
    return %arg0, %c0_i32 : i32, i32
  }
}

module attributes {stable_mosaic.version = 14 : i64} {
  func.func @_out_body(%arg0: i32, %arg1: memref<2x256x128xf32, #tpu.memory_space<vmem>>, %arg2: memref<256x32xf32, #tpu.memory_space<vmem>>, %arg3: memref<1x32xf32, #tpu.memory_space<vmem>>, %arg4: memref<256x8xf32, #tpu.memory_space<vmem>>, %arg5: memref<256x32xf32, #tpu.memory_space<vmem>>) attributes {dimension_semantics = [#tpu.dimension_semantics<arbitrary>], iteration_bounds = array<i64: 40>, scalar_prefetch = 0 : i64, scratch_operands = 0 : i64, tpu.core_type = #tpu.core_type<tc>, window_params = [{transform_indices = @transform_0, window_bounds = array<i64: 2, 256, 128>}, {transform_indices = @transform_1, window_bounds = array<i64: 256, 32>}, {pipeline_mode = #tpu.pipeline_mode<synchronous>, transform_indices = @transform_2, window_bounds = array<i64: 1, 32>}, {transform_indices = @transform_3, window_bounds = array<i64: 256, 8>}, {transform_indices = @transform_4, window_bounds = array<i64: 256, 32>}]} {
    %get3A = arith.constant 0 : index
    %get3A_0 = arith.constant 0 : index
    %get3A_1 = arith.constant 0 : index
    %get3A_2 = vector.load %arg1[%get3A, %get3A_0, %get3A_1] : memref<2x256x128xf32, #tpu.memory_space<vmem>>, vector<1x256x32xf32>
    %get3A_3 = vector.shape_cast %get3A_2 : vector<1x256x32xf32> to vector<256x32xf32>
    %get3A_4 = arith.constant 1 : index
    %get3A_5 = arith.constant 0 : index
    %get3A_6 = arith.constant 0 : index
    %get3A_7 = vector.load %arg1[%get3A_4, %get3A_5, %get3A_6] : memref<2x256x128xf32, #tpu.memory_space<vmem>>, vector<1x256x32xf32>
    %get3A_8 = vector.shape_cast %get3A_7 : vector<1x256x32xf32> to vector<256x32xf32>
    %add3A = arith.addf %get3A_3, %get3A_8 : vector<256x32xf32>
    %get3A_9 = arith.constant 0 : index
    %get3A_10 = arith.constant 0 : index
    %get3A_11 = vector.load %arg4[%get3A_9, %get3A_10] : memref<256x8xf32, #tpu.memory_space<vmem>>, vector<256x1xf32>
    %mul3A = vector.broadcast %get3A_11 : vector<256x1xf32> to vector<256x32xf32>
    %mul3A_12 = arith.mulf %add3A, %mul3A : vector<256x32xf32>
    %get3A_13 = arith.constant 0 : index
    %get3A_14 = arith.constant 0 : index
    %get3A_15 = vector.load %arg3[%get3A_13, %get3A_14] : memref<1x32xf32, #tpu.memory_space<vmem>>, vector<1x32xf32>
    %get3A_16 = vector.shape_cast %get3A_15 : vector<1x32xf32> to vector<32xf32>
    %broadcast_in_dim3A = vector.shape_cast %get3A_16 : vector<32xf32> to vector<1x32xf32>
    %add3A_17 = vector.broadcast %broadcast_in_dim3A : vector<1x32xf32> to vector<256x32xf32>
    %add3A_18 = arith.addf %mul3A_12, %add3A_17 : vector<256x32xf32>
    %get3A_19 = arith.constant 0 : index
    %get3A_20 = arith.constant 0 : index
    %get3A_21 = vector.load %arg2[%get3A_19, %get3A_20] : memref<256x32xf32, #tpu.memory_space<vmem>>, vector<256x32xf32>
    %add3A_22 = arith.addf %add3A_18, %get3A_21 : vector<256x32xf32>
    %max3A = arith.constant 0.000000e+00 : f32
    %max3A_23 = vector.broadcast %max3A : f32 to vector<256x32xf32>
    %max3A_24 = arith.maximumf %add3A_22, %max3A_23 : vector<256x32xf32>
    %swap3A = arith.constant 0 : index
    %swap3A_25 = arith.constant 0 : index
    %swap3A_26 = vector.load %arg5[%swap3A, %swap3A_25] : memref<256x32xf32, #tpu.memory_space<vmem>>, vector<256x32xf32>
    tpu.vector_store %arg5[%swap3A, %swap3A_25], %max3A_24 {strides = array<i32>} : memref<256x32xf32, #tpu.memory_space<vmem>>, vector<256x32xf32>,
    return
  }
  func.func @transform_0(%arg0: i32) -> (i32, i32, i32) {
    %c0_i32 = arith.constant 0 : i32
    %c0_i32_0 = arith.constant 0 : i32
    %c0_i32_1 = arith.constant 0 : i32
    return %c0_i32, %arg0, %c0_i32_0 : i32, i32, i32
  }
  func.func @transform_1(%arg0: i32) -> (i32, i32) {
    %c0_i32 = arith.constant 0 : i32
    %c0_i32_0 = arith.constant 0 : i32
    return %arg0, %c0_i32 : i32, i32
  }
  func.func @transform_2(%arg0: i32) -> (i32, i32) {
    %c0_i32 = arith.constant 0 : i32
    %c0_i32_0 = arith.constant 0 : i32
    %c0_i32_1 = arith.constant 0 : i32
    return %c0_i32, %c0_i32_0 : i32, i32
  }
  func.func @transform_3(%arg0: i32) -> (i32, i32) {
    %c0_i32 = arith.constant 0 : i32
    %c0_i32_0 = arith.constant 0 : i32
    return %arg0, %c0_i32 : i32, i32
  }
  func.func @transform_4(%arg0: i32) -> (i32, i32) {
    %c0_i32 = arith.constant 0 : i32
    %c0_i32_0 = arith.constant 0 : i32
    return %arg0, %c0_i32 : i32, i32
  }
}

</mosaic_0001>

<sc_bundles>
// kernel: kernel.10.cloned.1.call-start
scs
__scs_entry_jumppad:
0x0: {  	(pc) =	sbr.rel $0x88, $3  }
0x1: {  	(tag) =	ssettag $0x0;
	lr =	simm.s32 $0x1  }
0x2: {  	[smem:$0x3F99] =	sst lr;
	_ =	strace $0xD0000000  }
0x3: {  	_ = 	snop  }
0x4: {  	_ = 	snop  }
0x5: {  	_ = 	snop  }
0x6: {  	_ = 	snop  }
0x7: {  	_ = 	snop  }
__scs_overlays_trampoline_lowered:
0x8: {  	[smem:$0x3FA8] =	sst s0  }
0x9: {  	[smem:$0x3FA9] =	sst s1  }
0xa: {  	[smem:$0x3FAA] =	sst s2  }
0xb: {  	[smem:$0x3FAB] =	sst s3  }
0xc: {  	[smem:$0x3FAC] =	sst s4  }
0xd: {  	[smem:$0x3FAD] =	sst s5  }
0xe: {  	[smem:$0x3FAE] =	sst s6  }
0xf: {  	[smem:$0x3FAF] =	sst s7  }
0x10: {  	[smem:$0x3FB0] =	sst s8  }
0x11: {  	[smem:$0x3FB1] =	sst s9;
	s0 =	simm.s32 @!p0 $0x0  }
0x12: {  	s1 =	sld [smem:$0x3F97];
	s0 =	simm.s32 @p0 $0x1  }
0x13: {  	[smem:$0x3FB2] =	sst s0;
	s0 =	simm.s32 @!p1 $0x0  }
0x14: {  	s2 =	sld [smem:$0x3F96];
	s0 =	simm.s32 @p1 $0x1  }
0x15: {  	[smem:$0x3FB3] =	sst s0;
	s0 =	simm.s32 @!p2 $0x0  }
0x16: {  	s3 =	sld [smem:$0x3FDB];
	s0 =	simm.s32 @p2 $0x1  }
0x17: {  	s4 =	simm.s32 $0x1BF5;
	[smem:$0x3FB5] =	sst s0  }
0x18: {  	s0 =	sld [smem:$0x3F98];
	_ =	swait.ge [sflag:s4], $0x0  }
0x19: {  	s7 =	sld [smem:$0x3F99]  }
0x1a: {  	s8 =	sadd.s32 $0xFFFFE003, lr  }
0x1b: {  	s9 =	sadd.s32 $0xFFFFFEF7, lr;
	s5 =	simm.s32 $0xFFFFFFFF;
	p2 =	slt.u32 s8, $0xFFFFF086  }
0x1c: {  	p1 =	slt.u32 s9, $0xF7A;
	s5 =	simm.s32 @!p2 $0x0  }
0x1d: {  	s5 =	simm.s32 @p1 $0x1;
	p0 =	seq.s32 s7, s2  }
0x1e: {  	s7 =	smul.u32 @!p0 $0xF7A, s2;
	p2 =	seq.s32 @!p0 s5, $0x0  }
0x1f: {  	s9 =	smul.u32 $0xF7A, s1;
	s8 =	simm.s32 @!p0 $0x1BF5;
	p2 =	por !p2, p0  }
0x20: {  	[sflag:s8] =	ssyncset.s32 @!p0 $0xFFFFF086;
	s6 =	sadd.s32 @!p0 s3, s7;
	s7 =	simm.s32 @!p0 $0x108  }
0x21: {  	s3 =	sadd.s32 s3, s9;
	s6 =	sadd.s32 @!p0 $0x88, s6;
	s7 =	simm.s32 @p2 $0x1082  }
0x22: {  	[simem:s7], [sflag:s8] =	dma.local @!p0 [hbm:s6], $0xF7A  }
0x23: {  	s9 =	sor.u32 $0xD0000000, s2;
	s6 =	simm.s32 $0x108;
	_ =	swait.ge @!p0 [sflag:s8], $0x0  }
0x24: {  	s3 =	sadd.s32 $0x88, s3;
	s6 =	simm.s32 @!p1 $0x1082;
	[sflag:s4] =	ssyncset.s32 $0xFFFFF086  }
0x25: {  	[simem:s6], [sflag:s4] =	dma.local [hbm:s3], $0xF7A  }
0x26: {  	[smem:$0x3F99] =	sst s1;
	(tag) =	ssettag s2;
	_ =	strace s9  }
0x27: {  	s1 =	sld [smem:$0x3FA9]  }
0x28: {  	s2 =	sld [smem:$0x3FAA]  }
0x29: {  	s4 =	sld [smem:$0x3FAC]  }
0x2a: {  	p0 =	seq.s32 s5, $0x0;
	s5 =	sld [smem:$0x3FAD]  }
0x2b: {  	s6 =	sld [smem:$0x3FAE]  }
0x2c: {  	s7 =	sld [smem:$0x3FAF]  }
0x2d: {  	s3 =	simm.s32 $0x108;
	s8 =	sld [smem:$0x3FB0]  }
0x2e: {  	s3 =	simm.s32 @!p0 $0x1082;
	s9 =	sld [smem:$0x3FB1]  }
0x2f: {  	lr =	sadd.s32 s0, s3;
	s0 =	sld [smem:$0x3FA8]  }
0x30: {  	s3 =	sld [smem:$0x3FAB]  }
0x31: {  	[smem:$0x3FB4] =	sst s10  }
0x32: {  	s10 =	sld [smem:$0x3FB2];
	_ =	sdelay $0x3  }
0x33: {  	p0 =	seq.s32 s10, $0x1;
	s10 =	sld [smem:$0x3FB4];
	_ =	sdelay $0x3  }
0x34: {  	[smem:$0x3FB4] =	sst s10  }
0x35: {  	s10 =	sld [smem:$0x3FB3];
	_ =	sdelay $0x3  }
0x36: {  	p1 =	seq.s32 s10, $0x1;
	s10 =	sld [smem:$0x3FB4];
	_ =	sdelay $0x3  }
0x37: {  	[smem:$0x3FB4] =	sst s10  }
0x38: {  	s10 =	sld [smem:$0x3FB5]  }
0x39: {  	_ = 	snop;
	(pc) =	sbr.ind lr, $3  }
0x3a: {  	_ = 	snop  }
0x3b: {  	_ = 	snop  }
0x3c: {  	p2 =	seq.s32 s10, $0x1;
	s10 =	sld [smem:$0x3FB4]  }
0x3d: {  	_ =	shalt  }
0x3e: {  	_ =	shalt  }
0x3f: {  	_ =	shalt  }
0x40: {  	_ =	shalt  }
0x41: {  	_ =	shalt  }
0x42: {  	_ =	shalt  }
0x43: {  	_ =	shalt  }
0x44: {  	_ =	shalt  }
0x45: {  	_ =	shalt  }
0x46: {  	_ =	shalt  }
0x47: {  	_ =	shalt  }
0x48: {  	_ =	shalt  }
0x49: {  	_ =	shalt  }
0x4a: {  	_ =	shalt  }
0x4b: {  	_ =	shalt  }
0x4c: {  	_ =	shalt  }
0x4d: {  	_ =	shalt  }
0x4e: {  	_ =	shalt  }
0x4f: {  	_ =	shalt  }
0x50: {  	_ =	shalt  }
0x51: {  	_ =	shalt  }
0x52: {  	_ =	shalt  }
0x53: {  	_ =	shalt  }
0x54: {  	_ =	shalt  }
0x55: {  	_ =	shalt  }
0x56: {  	_ =	shalt  }
0x57: {  	_ =	shalt  }
0x58: {  	_ =	shalt  }
0x59: {  	_ =	shalt  }
0x5a: {  	_ =	shalt  }
0x5b: {  	_ =	shalt  }
0x5c: {  	_ =	shalt  }
0x5d: {  	_ =	shalt  }
0x5e: {  	_ =	shalt  }
0x5f: {  	_ =	shalt  }
0x60: {  	_ =	shalt  }
0x61: {  	_ =	shalt  }
0x62: {  	_ =	shalt  }
0x63: {  	_ =	shalt  }
0x64: {  	_ =	shalt  }
0x65: {  	_ =	shalt  }
0x66: {  	_ =	shalt  }
0x67: {  	_ =	shalt  }
0x68: {  	_ =	shalt  }
0x69: {  	_ =	shalt  }
0x6a: {  	_ =	shalt  }
0x6b: {  	_ =	shalt  }
0x6c: {  	_ =	shalt  }
0x6d: {  	_ =	shalt  }
0x6e: {  	_ =	shalt  }
0x6f: {  	_ =	shalt  }
0x70: {  	_ =	shalt  }
0x71: {  	_ =	shalt  }
0x72: {  	_ =	shalt  }
0x73: {  	_ =	shalt  }
0x74: {  	_ =	shalt  }
0x75: {  	_ =	shalt  }
0x76: {  	_ =	shalt  }
0x77: {  	_ =	shalt  }
0x78: {  	_ =	shalt  }
0x79: {  	_ =	shalt  }
0x7a: {  	_ =	shalt  }
0x7b: {  	_ =	shalt  }
0x7c: {  	_ =	shalt  }
0x7d: {  	_ =	shalt  }
0x7e: {  	_ =	shalt  }
0x7f: {  	_ =	shalt  }
0x80: {  	_ =	shalt  }
0x81: {  	_ =	shalt  }
0x82: {  	_ =	shalt  }
0x83: {  	_ =	shalt  }
0x84: {  	_ =	shalt  }
0x85: {  	_ =	shalt  }
0x86: {  	_ =	shalt  }
0x87: {  	_ =	shalt  }
.Lfunc_end0:
.L_simem_size_0:
called_computation.1_lowered:
.L_overlay_start_0:
0x88: {  	s2 =	sld [smem:$0x3FD9]  }
0x89: {  	s3 =	sld [smem:$0x3FFE];
	_ =	sdelay $0x1  }
0x8a: {  	s1 =	srdreg.scid  }
0x8b: {  	s0 =	sand.u32 $0x1, s1  }
0x8c: {  	s16 =	sshll.u32 s0, $0xA;
	s2 =	sadd.s32 s3, s2  }
0x8d: {  	s2 =	sadd.s32 s2, s16  }
0x8e: {  	[smem:$0x3FC0] =	sst s2  }
0x8f: {  	_ = 	snop  }
0x90: {  	(tm) =	ssettm $0x1  }
0x91: {  	s17 =	sld [smem:$0x3FFB];
	_ =	sdelay $0x3  }
0x92: {  	_ =	strace s17  }
0x93: {  	s2 =	sld [smem:$0x3FFC];
	_ =	sdelay $0x3  }
0x94: {  	_ =	strace s2  }
0x95: {  	s2 =	sld [smem:$0x3FFD];
	_ =	sdelay $0x3  }
0x96: {  	_ =	strace s2  }
0x97: {  	_ =	strace $0x8FFFFFFF  }
0x98: {  	s18 =	sld [smem:$0x3FDB];
	_ =	sdelay $0x1  }
0x99: {  	s19 =	simm.s32 $_scs_section_size  }
0x9a: {  	s4 =	simm.s32 $_size__tile_overlayer_lowered;
	s5 =	simm.s32 $_tile_overlayer_lowered  }
0x9b: {  	s22 =	simm.s32 $0x1BFF;
	s21 =	sshll.u32 s5, $0x1;
	s2 =	sadd.s32 s19, s18  }
0x9c: {  	s6 =	simm.s32 $0x0;
	s20 =	sshll.u32 s4, $0x1;
	s4 =	sadd.s32 s21, s2  }
0x9d: {  	[timem:s6], [sflag:s22] =	dma.local [hbm:s4], s20  }
0x9e: {  	_ =	swait.ge [sflag:s22], s20  }
0x9f: {  	s3 =	ssub.s32 $0x0, s20;
	[sflag:s22] =	ssyncset.done $0x0  }
0xa0: {  	[sflag:s22] =	ssyncadd.s32 s3;
	_ =	sdelay $0x1  }
0xa1: {  	s23 =	simm.s32 $0x1B8B  }
0xa2: {  	_ =	swait.ge [sflag:s23], $0x1  }
0xa3: {  	[sflag:s23] =	ssyncset.done $0x0  }
0xa4: {  	s25 =	simm.s32 $0x1B8E;
	s24 =	sld [smem:$0x3FFE];
	[sflag:s23] =	ssyncadd.s32 $0xFFFFFFFF  }
0xa5: {  	s26 =	simm.s32 $execute0_lowered;
	[smem:$0x3FD2] =	sst s25  }
0xa6: {  	s4 =	sshll.u32 s26, $0x1;
	_ =	strace $0x80000049;
	[dreg:$0x1] =	wrdreg $0xFFFFFFFF  }
0xa7: {  	s28 =	simm.s32 $_size_execute0_lowered;
	s2 =	sadd.s32 s2, s4;
	[dreg:$0x0] =	wrdreg $0x0  }
0xa8: {  	s4 =	sshll.u32 s28, $0x1;
	[dreg:$0x2] =	wrdreg s2  }
0xa9: {  	[dreg:$0x3] =	wrdreg s4  }
0xaa: {  	[dreg:$0x4] =	wrdreg $0xC0  }
0xab: {  	_ =	task [dreg:s6], $0x5FFFF  }
0xac: {  	[dreg:$0x1] =	wrdreg $0xFFFFFFFF  }
0xad: {  	[dreg:$0x0] =	wrdreg $0x60  }
0xae: {  	[dreg:$0x2] =	wrdreg s24  }
0xaf: {  	[dreg:$0x3] =	wrdreg $0x0  }
0xb0: {  	[dreg:$0x4] =	wrdreg $0x9  }
0xb1: {  	_ =	task.clear_ibuf [dreg:s6], $0x5FFFF;
	_ =	strace $0x90000049  }
0xb2: {  	s29 =	simm.s32 $0x9;
	_ =	strace $0x8000004B  }
0xb3: {  	_ =	swait.ge [sflag:s29], $0x1  }
0xb4: {  	[sflag:s29] =	ssyncadd.s32 $0xFFFFFFFF  }
0xb5: {  	_ =	strace $0x9000004B  }
0xb6: {  	_ =	sfence  }
0xb7: {  	s30 =	sld [smem:$0x0];
	_ =	sdelay $0x2  }
0xb8: {  	s31 =	sshll.u32 s1, $0xD;
	s1 =	sshrl.u32 s1, $0x2  }
0xb9: {  	s3 =	sand.u32 $0x4000, s31;
	s1 =	sadd.s32 s1, s30  }
0xba: {  	s0 =	sor.u32 s3, s0;
	s1 =	sshll.u32 s1, $0x11  }
0xbb: {  	s0 =	sor.u32 s1, s0  }
0xbc: {  	s0 =	sadd.s32 $0x8F2B, s0  }
0xbd: {  	[sflag:s0] =	ssyncadd.remote.s32 $0x1  }
0xbe: {  	_ =	sfence.sel $0xFFFF  }
0xbf: {  	[dreg:$0x0] =	wrdreg $0xFFFFFFFF;
	(pc) =	sbr.abs _section_cstart, $3  }
0xc0: {  	[dreg:$0x1] =	wrdreg $0xFFFFFFFF  }
0xc1: {  	_ =	task.clear_ibuf [dreg:s6], $0x2FFFF;
	_ =	strace $0x9FFFFFFF  }
0xc2: {  	(tm) =	ssettm $0x7FFFFFFF  }
0xc3: {  	_ =	shalt  }
tec
execute0_lowered:
.L_overlay_start_1:
0x0: {  	(tag) =	ssettag $0x1  }
0x1: {  	s1 =	srdreg.scid  }
0x2: {  	s0 =	stileid.u32;
	s6 =	rddreg [dreg:$0x0]  }
0x3: {  	s2 =	rddreg [dreg:$0x1];
	s3 =	simm.s32 $0x0;
	s13 =	simm.s32 $0x40  }
0x4: {  	s16 =	simm.s32 $0x1AF00;
	s17 =	simm.s32 $0x14100;
	s19 =	simm.s32 $0x2  }
0x5: {  	s18 =	simm.s32 $0x1CF00;
	s5 =	sand.u32 $0x1, s1;
	s26 =	sshll.u32 s0, $0x1  }
0x6: {  	s8 =	smul.u32 $0x14000, s0;
	[smem:$0x7FF] =	sst s3;
	s4 =	sadd.s32 $0x15600, s6  }
0x7: {  	s28 =	smul.u32 $0x50000, s0;
	s31 =	sshll.u32 s0, $0x6;
	s1 =	sor.u32 s5, s26  }
0x8: {  	s9 =	smul.u32 $0x140000, s5;
	_ =	strace $0x8000004A;
	s5 =	ssub.s32 $0x2, s5  }
0x9: {  	[dreg:$0x3] =	wrdreg s19;
	s19 =	simm.s32 $0x0;
	s7 =	smul.u32 $0x9E0, s1  }
0xa: {  	s10 =	sshrl.u32 s8, $0x3;
	s29 =	sshrl.u32 s5, $0x1;
	s30 =	sshrl.u32 s28, $0x2  }
0xb: {  	s8 =	sadd.s32 s8, s9;
	s10 =	sadd.s32 s10, s6;
	s11 =	ssub.s32 s5, s29  }
0xc: {  	s12 =	sadd.s32 s30, s2;
	s7 =	sadd.s32 s7, s6;
	s8 =	sshrl.u32 s8, $0x3  }
0xd: {  	s5 =	sadd.s32 $0x3D600, s10;
	s9 =	smax.u32 s11, $0x1;
	s10 =	sshrl.u32 s12, $0x3  }
0xe: {  	s11 =	simm.s32 $0x4;
	s12 =	simm.s32 $0x14000;
	s8 =	sadd.s32 s8, s6  }
0xf: {  	s6 =	sor.u32 $0x1C04, s31;
	s7 =	sadd.s32 $0x1A00, s7;
	s8 =	sadd.s32 $0x65600, s8  }
.LBB2_1:
0x10: {  	[spmem:s10], [sflag:s6] =	dma.local [hbm:s5], $0x2800  }
0x11: {  	_ =	swait.ge [sflag:s11], $0x2800  }
0x12: {  	[sflag:s11] =	ssyncset.done $0x0  }
0x13: {  	s0 =	simm.s32 $0x18F00;
	s26 =	simm.s32 $0x14040;
	[sflag:s11] =	ssyncadd.s32 $0xFFFFD800  }
0x14: {  	s20 =	smul.u32 $0xAB, s3;
	s24 =	sand.u32 $0x40, s3;
	[bflag:$0x0] =	sbarrier.arrive $0xFFFF  }
0x15: {  	[tilespmem:s12], [sflag:$0x4] =	stream.linear.gather [hbm4b:s7+s3], $0x4F00, $0x38;
	[tilespmem:$0x1EF00] =	vst v63  }
0x16: {  	s22 =	simm.s32 $0x40;
	s20 =	sshrl.u32 s20, $0x9;
	_ =	swait.ge [sflag:s11], $0x4F00  }
0x17: {  	p1 =	por $0x0, $0x0;
	s21 =	sand.u32 $0x7F, s20;
	[sflag:s11] =	ssyncset.done $0x0  }
0x18: {  	s28 =	sand.u32 $0x1FC00, s3;
	s23 =	smul.u32 $0x3, s21;
	[sflag:s11] =	ssyncadd.s32 $0xFFFFB100  }
0x19: {  	[tilespmem:s0], [sflag:$0x1] =	stream.indirect.gather [hbm4b:s4+s13], $0x80, s12, s13, $0xb8;
	[tilespmem:$0x1EF00] =	vst v63  }
0x1a: {  	s31 =	sshrl.u32 s28, $0x2;
	s20 =	simm.s32 $0x1;
	s23 =	ssub.s32 $0x0, s23  }
0x1b: {  	[tilespmem:s16], [sflag:$0x2] =	stream.indirect.gather [hbm4b:s4+s13], $0x80, s26, s13, $0xb8;
	[tilespmem:$0x1EF00] =	vst v63  }
0x1c: {  	s21 =	simm.s32 $0x200;
	s25 =	rddreg [dreg:$0x3];
	s26 =	sand.u32 $0xFF, s23  }
0x1d: {  	s23 =	sand.u32 @!p1 $0xFF, s23;
	p2 =	seq.s32 s26, $0x0;
	p3 =	seq.s32 s26, $0x1  }
0x1e: {  	[tilespmem:s18], [sflag:$0x3] =	stream.indirect.gather [hbm4b:s4+s13], $0x80, s17, s13, $0xb8;
	[tilespmem:$0x1EF00] =	vst v63  }
0x1f: {  	p0 =	sne.s32 @!p1 s23, $0x1;
	s26 =	sshll.u32 s26, $0xD;
	s25 =	simm.s32 @!p3 $0x3  }
0x20: {  	p4 =	por !p2, !p2;
	p0 =	por p0, p1;
	s26 =	sor.u32 $0x18F00, s26  }
0x21: {  	s25 =	simm.s32 @p2 $0x1;
	p4 =	por @!p3 p2, p2;
	p3 =	sne.s32 @!p1 s23, $0x0  }
0x22: {  	s23 =	simm.s32 @!p0 $0x1AF00;
	s29 =	simm.s32 @!p0 $0xC0;
	p2 =	por !p4, !p4  }
0x23: {  	_ =	swait.ge [sflag:s25], $0x2000;
	p3 =	por p3, p1;
	s29 =	sand.u32 @!p0 $0x40, s29  }
0x24: {  	[sflag:s25] =	ssyncset.done $0x0;
	p2 =	por !p2, !p2;
	s28 =	simm.s32 @!p3 $0x600  }
0x25: {  	s30 =	simm.s32 @!p3 $0xC0;
	[sflag:s25] =	ssyncadd.s32 $0xFFFFE000;
	s25 =	sor.u32 s24, s31  }
0x26: {  	p1 =	por p1, p2;
	s28 =	sand.u32 @!p3 $0x3FC00, s28;
	s25 =	sadd.s32 $0x14080, s25  }
0x27: {  	[spmem:s2] =	stream.indirect.scatter.add.f32 [tilespmem:s26], [sflag:$0x4], $0x80, s25, s13, $0xb8;
	[tilespmem:$0x1EF00] =	vst v63  }
0x28: {  	s24 =	simm.s32 @!p3 $0x18F00;
	s28 =	sshrl.u32 @!p3 s28, $0x2;
	s25 =	simm.s32 @!p1 $0x600  }
0x29: {  	s26 =	sand.u32 @!p3 $0x40, s30;
	s30 =	simm.s32 @!p0 $0x600;
	s25 =	sand.u32 @!p1 $0x3FC00, s25  }
0x2a: {  	s28 =	sor.u32 @!p3 s26, s28;
	s26 =	simm.s32 @!p1 $0xC0;
	s30 =	sand.u32 @!p0 $0x3FC00, s30  }
0x2b: {  	_ =	swait.ge [sflag:s11], $0x2000;
	s30 =	sshrl.u32 @!p0 s30, $0x2;
	s26 =	sand.u32 @!p1 $0x40, s26  }
.LBB2_2:
0x2c: {  	[sflag:s11] =	ssyncset.done $0x0  }
0x2d: {  	s28 =	sadd.s32 @!p3 $0x14000, s28;
	s29 =	sor.u32 @!p0 s29, s30;
	s30 =	simm.s32 @!p0 $0x40  }
0x2e: {  	s25 =	sshrl.u32 @!p1 s25, $0x2;
	s31 =	simm.s32 @!p3 $0x40;
	[sflag:s11] =	ssyncadd.s32 $0xFFFFE000  }
0x2f: {  	[tilespmem:s24], [sflag:$0x1] =	stream.indirect.gather @!p3 [hbm4b:s4+s31], $0x80, s28, s31, $0xb8;
	[tilespmem:$0x1EF00] =	vst v63  }
0x30: {  	s29 =	sadd.s32 @!p0 $0x14000, s29;
	s25 =	sor.u32 @!p1 s26, s25;
	s31 =	smov.u32 s20  }
0x31: {  	s26 =	simm.s32 @!p1 $0x40;
	s24 =	sadd.s32 @!p1 $0x14000, s25;
	s0 =	smul.u32 $0xAB, s31  }
0x32: {  	[tilespmem:s23], [sflag:$0x2] =	stream.indirect.gather @!p0 [hbm4b:s4+s30], $0x80, s29, s30, $0xb8;
	[tilespmem:$0x1EF00] =	vst v63  }
0x33: {  	s20 =	sadd.s32 $0x1, s20;
	s28 =	simm.s32 @!p1 $0x1CF00;
	s23 =	sshrl.u32 s0, $0x9  }
0x34: {  	[tilespmem:s28], [sflag:$0x3] =	stream.indirect.gather @!p1 [hbm4b:s4+s26], $0x80, s24, s26, $0xb8;
	[tilespmem:$0x1EF00] =	vst v63  }
0x35: {  	p2 =	sne.s32 s20, $0x9E;
	s29 =	rddreg [dreg:$0x3];
	s23 =	sand.u32 $0x7F, s23  }
0x36: {  	s26 =	smov.u32 s21;
	s28 =	smov.u32 s22;
	s23 =	smul.u32 $0x3, s23  }
0x37: {  	s21 =	sadd.s32 $0x200, s21;
	s22 =	sadd.s32 $0x40, s22;
	p1 =	sgt.u32 s31, $0x9A  }
0x38: {  	s1 =	sand.u32 $0x40, s28;
	s30 =	sand.u32 $0x1FC00, s26;
	s23 =	ssub.s32 s31, s23  }
0x39: {  	s15 =	sshrl.u32 s30, $0x2;
	s14 =	sand.u32 $0xFF, s23;
	s23 =	sand.u32 @!p1 $0xFF, s23  }
0x3a: {  	p3 =	seq.s32 s14, $0x0;
	p4 =	seq.s32 s14, $0x1;
	p0 =	sne.s32 @!p1 s23, $0x1  }
0x3b: {  	s25 =	sshll.u32 s14, $0xD;
	s29 =	simm.s32 @!p4 $0x3;
	p5 =	por !p3, !p3  }
0x3c: {  	p0 =	por p0, p1;
	s31 =	sor.u32 $0x18F00, s25;
	s25 =	sor.u32 s1, s15  }
0x3d: {  	s29 =	simm.s32 @p3 $0x1;
	p5 =	por @!p4 p3, p3;
	p4 =	sne.s32 @!p1 s23, $0x0  }
0x3e: {  	s23 =	simm.s32 @!p0 $0x1AF00;
	s0 =	sadd.s32 @!p0 $0x600, s26;
	s14 =	sadd.s32 $0x14080, s25  }
0x3f: {  	p3 =	por !p5, !p5;
	_ =	swait.ge [sflag:s29], $0x2000;
	s0 =	sand.u32 @!p0 $0x3FC00, s0  }
0x40: {  	[sflag:s29] =	ssyncset.done $0x0;
	p5 =	por !p3, !p3;
	p3 =	por p4, p1  }
0x41: {  	[sflag:s29] =	ssyncadd.s32 $0xFFFFE000;
	s29 =	sadd.s32 @!p0 $0xC0, s28;
	s30 =	sadd.s32 @!p3 $0x600, s26  }
0x42: {  	s24 =	simm.s32 @!p3 $0x18F00;
	p1 =	por p1, p5;
	s1 =	sadd.s32 @!p3 $0xC0, s28  }
.Ltmp0:
0x43: {  	s26 =	sadd.s32 @!p1 $0x600, s26;
	s30 =	sand.u32 @!p3 $0x3FC00, s30;
	(pc) =	sbr.rel @p2 .LBB2_2-.Ltmp0, $4  }
0x44: {  	s1 =	sand.u32 @!p3 $0x40, s1;
	s15 =	sadd.s32 @!p1 $0xC0, s28;
	s29 =	sand.u32 @!p0 $0x40, s29  }
0x45: {  	[spmem:s2] =	stream.indirect.scatter.add.f32 [tilespmem:s31], [sflag:$0x4], $0x80, s14, s13, $0xb8;
	[tilespmem:$0x1EF00] =	vst v63  }
0x46: {  	s25 =	sand.u32 @!p1 $0x3FC00, s26;
	s26 =	sshrl.u32 @!p3 s30, $0x2;
	_ =	swait.ge [sflag:s11], $0x2000  }
0x47: {  	s30 =	sshrl.u32 @!p0 s0, $0x2;
	s28 =	sor.u32 @!p3 s1, s26;
	s26 =	sand.u32 @!p1 $0x40, s15  }
0x48: {  	[sflag:s11] =	ssyncset.done $0x0;
	s0 =	sadd.s32 @!p3 $0x14000, s28;
	s1 =	sor.u32 @!p0 s29, s30  }
0x49: {  	s14 =	sshrl.u32 @!p1 s25, $0x2;
	s15 =	simm.s32 @!p3 $0x40;
	[sflag:s11] =	ssyncadd.s32 $0xFFFFE000  }
0x4a: {  	[tilespmem:s24], [sflag:$0x1] =	stream.indirect.gather @!p3 [hbm4b:s4+s15], $0x80, s0, s15, $0xb8;
	[tilespmem:$0x1EF00] =	vst v63  }
0x4b: {  	s14 =	sor.u32 @!p1 s26, s14;
	s0 =	sadd.s32 @!p0 $0x14000, s1;
	s1 =	simm.s32 @!p0 $0x40  }
0x4c: {  	[tilespmem:s23], [sflag:$0x2] =	stream.indirect.gather @!p0 [hbm4b:s4+s1], $0x80, s0, s1, $0xb8;
	[tilespmem:$0x1EF00] =	vst v63  }
0x4d: {  	s19 =	sadd.s32 $0x1, s19;
	s0 =	sadd.s32 @!p1 $0x14000, s14  }
0x4e: {  	s1 =	simm.s32 @!p1 $0x40;
	s14 =	simm.s32 @!p1 $0x1CF00;
	p0 =	sne.s32 s19, s9  }
0x4f: {  	[tilespmem:s14], [sflag:$0x3] =	stream.indirect.gather @!p1 [hbm4b:s4+s1], $0x80, s0, s1, $0xb8;
	[tilespmem:$0x1EF00] =	vst v63  }
.Ltmp1:
0x50: {  	[bflag:$0x0] =	sbarrier.arrive $0xFFFF;
	(pc) =	sbr.rel @p0 .LBB2_1-.Ltmp1, $4  }
0x51: {  	[hbm:s8], [sflag:s6] =	dma.local [spmem:s10], $0x2800  }
0x52: {  	_ =	swait.ge [sflag:s11], $0x2800  }
0x53: {  	[sflag:s11] =	ssyncset.done $0x0  }
0x54: {  	[sflag:s11] =	ssyncadd.s32 $0xFFFFD800  }
0x55: {  	_ =	sfence.sel $0x180000  }
0x56: {  	[bflag:$0x0] =	sbarrier.arrive $0xFFFF  }
0x57: {  	_ =	strace $0x9000004A  }
0x58: {  	s0 =	stileid.u32;
	[bflag:$0x2] =	sbarrier.arrive $0xFFFF  }
0x59: {  	p0 =	sne.s32 s0, $0x0;
	s0 =	rddreg [dreg:$0x2]  }
0x5a: {  	s0 =	sadd.s32 @!p0 $0x100000, s0  }
0x5b: {  	[sflag:s0] =	ssyncadd.tile.s32 @!p0 $0x1;
	_ =	shalt  }
.Lfunc_end2:
_tile_overlayer_lowered:
.L_overlay_start_2:
0x5c: {  	(tag) =	ssettag $0x2  }
0x5d: {  	s0 =	rddreg [dreg:$0x0];
	s2 =	stileid.u32  }
0x5e: {  	s1 =	rddreg [dreg:$0x1];
	p0 =	sne.s32 s2, $0x0  }
0x5f: {  	s3 =	rddreg [dreg:$0x2];
	[bflag:$0x3] =	sbarrier.arrive $0xFFFF;
	s2 =	simm.s32 @!p0 $0x1C04  }
0x60: {  	[timem:s3], [sflag:s2] =	dma.local @!p0 [hbm:s0], s1  }
0x61: {  	s0 =	simm.s32 @!p0 $0x4  }
0x62: {  	_ =	swait.ge @!p0 [sflag:s0], s1  }
0x63: {  	s1 =	ssub.s32 @!p0 $0x0, s1;
	[sflag:s0] =	ssyncset.done @!p0 $0x0  }
0x64: {  	[sflag:s0] =	ssyncadd.s32 @!p0 s1  }
0x65: {  	[bflag:$0x3] =	sbarrier.arrive $0xFFFF  }
0x66: {  	_ =	shalt  }

// kernel: kernel.7.cloned.1.call-start
scs
__scs_entry_jumppad:
0x0: {  	(pc) =	sbr.rel $0x88, $3  }
0x1: {  	(tag) =	ssettag $0x0;
	lr =	simm.s32 $0x1  }
0x2: {  	[smem:$0x3F99] =	sst lr;
	_ =	strace $0xD0000000  }
0x3: {  	_ = 	snop  }
0x4: {  	_ = 	snop  }
0x5: {  	_ = 	snop  }
0x6: {  	_ = 	snop  }
0x7: {  	_ = 	snop  }
__scs_overlays_trampoline_lowered:
0x8: {  	[smem:$0x3FA8] =	sst s0  }
0x9: {  	[smem:$0x3FA9] =	sst s1  }
0xa: {  	[smem:$0x3FAA] =	sst s2  }
0xb: {  	[smem:$0x3FAB] =	sst s3  }
0xc: {  	[smem:$0x3FAC] =	sst s4  }
0xd: {  	[smem:$0x3FAD] =	sst s5  }
0xe: {  	[smem:$0x3FAE] =	sst s6  }
0xf: {  	[smem:$0x3FAF] =	sst s7  }
0x10: {  	[smem:$0x3FB0] =	sst s8  }
0x11: {  	[smem:$0x3FB1] =	sst s9;
	s0 =	simm.s32 @!p0 $0x0  }
0x12: {  	s1 =	sld [smem:$0x3F97];
	s0 =	simm.s32 @p0 $0x1  }
0x13: {  	[smem:$0x3FB2] =	sst s0;
	s0 =	simm.s32 @!p1 $0x0  }
0x14: {  	s2 =	sld [smem:$0x3F96];
	s0 =	simm.s32 @p1 $0x1  }
0x15: {  	[smem:$0x3FB3] =	sst s0;
	s0 =	simm.s32 @!p2 $0x0  }
0x16: {  	s3 =	sld [smem:$0x3FDB];
	s0 =	simm.s32 @p2 $0x1  }
0x17: {  	s4 =	simm.s32 $0x1BF5;
	[smem:$0x3FB5] =	sst s0  }
0x18: {  	s0 =	sld [smem:$0x3F98];
	_ =	swait.ge [sflag:s4], $0x0  }
0x19: {  	s7 =	sld [smem:$0x3F99]  }
0x1a: {  	s8 =	sadd.s32 $0xFFFFE003, lr  }
0x1b: {  	s9 =	sadd.s32 $0xFFFFFEF7, lr;
	s5 =	simm.s32 $0xFFFFFFFF;
	p2 =	slt.u32 s8, $0xFFFFF086  }
0x1c: {  	p1 =	slt.u32 s9, $0xF7A;
	s5 =	simm.s32 @!p2 $0x0  }
0x1d: {  	s5 =	simm.s32 @p1 $0x1;
	p0 =	seq.s32 s7, s2  }
0x1e: {  	s7 =	smul.u32 @!p0 $0xF7A, s2;
	p2 =	seq.s32 @!p0 s5, $0x0  }
0x1f: {  	s9 =	smul.u32 $0xF7A, s1;
	s8 =	simm.s32 @!p0 $0x1BF5;
	p2 =	por !p2, p0  }
0x20: {  	[sflag:s8] =	ssyncset.s32 @!p0 $0xFFFFF086;
	s6 =	sadd.s32 @!p0 s3, s7;
	s7 =	simm.s32 @!p0 $0x108  }
0x21: {  	s3 =	sadd.s32 s3, s9;
	s6 =	sadd.s32 @!p0 $0x88, s6;
	s7 =	simm.s32 @p2 $0x1082  }
0x22: {  	[simem:s7], [sflag:s8] =	dma.local @!p0 [hbm:s6], $0xF7A  }
0x23: {  	s9 =	sor.u32 $0xD0000000, s2;
	s6 =	simm.s32 $0x108;
	_ =	swait.ge @!p0 [sflag:s8], $0x0  }
0x24: {  	s3 =	sadd.s32 $0x88, s3;
	s6 =	simm.s32 @!p1 $0x1082;
	[sflag:s4] =	ssyncset.s32 $0xFFFFF086  }
0x25: {  	[simem:s6], [sflag:s4] =	dma.local [hbm:s3], $0xF7A  }
0x26: {  	[smem:$0x3F99] =	sst s1;
	(tag) =	ssettag s2;
	_ =	strace s9  }
0x27: {  	s1 =	sld [smem:$0x3FA9]  }
0x28: {  	s2 =	sld [smem:$0x3FAA]  }
0x29: {  	s4 =	sld [smem:$0x3FAC]  }
0x2a: {  	p0 =	seq.s32 s5, $0x0;
	s5 =	sld [smem:$0x3FAD]  }
0x2b: {  	s6 =	sld [smem:$0x3FAE]  }
0x2c: {  	s7 =	sld [smem:$0x3FAF]  }
0x2d: {  	s3 =	simm.s32 $0x108;
	s8 =	sld [smem:$0x3FB0]  }
0x2e: {  	s3 =	simm.s32 @!p0 $0x1082;
	s9 =	sld [smem:$0x3FB1]  }
0x2f: {  	lr =	sadd.s32 s0, s3;
	s0 =	sld [smem:$0x3FA8]  }
0x30: {  	s3 =	sld [smem:$0x3FAB]  }
0x31: {  	[smem:$0x3FB4] =	sst s10  }
0x32: {  	s10 =	sld [smem:$0x3FB2];
	_ =	sdelay $0x3  }
0x33: {  	p0 =	seq.s32 s10, $0x1;
	s10 =	sld [smem:$0x3FB4];
	_ =	sdelay $0x3  }
0x34: {  	[smem:$0x3FB4] =	sst s10  }
0x35: {  	s10 =	sld [smem:$0x3FB3];
	_ =	sdelay $0x3  }
0x36: {  	p1 =	seq.s32 s10, $0x1;
	s10 =	sld [smem:$0x3FB4];
	_ =	sdelay $0x3  }
0x37: {  	[smem:$0x3FB4] =	sst s10  }
0x38: {  	s10 =	sld [smem:$0x3FB5]  }
0x39: {  	_ = 	snop;
	(pc) =	sbr.ind lr, $3  }
0x3a: {  	_ = 	snop  }
0x3b: {  	_ = 	snop  }
0x3c: {  	p2 =	seq.s32 s10, $0x1;
	s10 =	sld [smem:$0x3FB4]  }
0x3d: {  	_ =	shalt  }
0x3e: {  	_ =	shalt  }
0x3f: {  	_ =	shalt  }
0x40: {  	_ =	shalt  }
0x41: {  	_ =	shalt  }
0x42: {  	_ =	shalt  }
0x43: {  	_ =	shalt  }
0x44: {  	_ =	shalt  }
0x45: {  	_ =	shalt  }
0x46: {  	_ =	shalt  }
0x47: {  	_ =	shalt  }
0x48: {  	_ =	shalt  }
0x49: {  	_ =	shalt  }
0x4a: {  	_ =	shalt  }
0x4b: {  	_ =	shalt  }
0x4c: {  	_ =	shalt  }
0x4d: {  	_ =	shalt  }
0x4e: {  	_ =	shalt  }
0x4f: {  	_ =	shalt  }
0x50: {  	_ =	shalt  }
0x51: {  	_ =	shalt  }
0x52: {  	_ =	shalt  }
0x53: {  	_ =	shalt  }
0x54: {  	_ =	shalt  }
0x55: {  	_ =	shalt  }
0x56: {  	_ =	shalt  }
0x57: {  	_ =	shalt  }
0x58: {  	_ =	shalt  }
0x59: {  	_ =	shalt  }
0x5a: {  	_ =	shalt  }
0x5b: {  	_ =	shalt  }
0x5c: {  	_ =	shalt  }
0x5d: {  	_ =	shalt  }
0x5e: {  	_ =	shalt  }
0x5f: {  	_ =	shalt  }
0x60: {  	_ =	shalt  }
0x61: {  	_ =	shalt  }
0x62: {  	_ =	shalt  }
0x63: {  	_ =	shalt  }
0x64: {  	_ =	shalt  }
0x65: {  	_ =	shalt  }
0x66: {  	_ =	shalt  }
0x67: {  	_ =	shalt  }
0x68: {  	_ =	shalt  }
0x69: {  	_ =	shalt  }
0x6a: {  	_ =	shalt  }
0x6b: {  	_ =	shalt  }
0x6c: {  	_ =	shalt  }
0x6d: {  	_ =	shalt  }
0x6e: {  	_ =	shalt  }
0x6f: {  	_ =	shalt  }
0x70: {  	_ =	shalt  }
0x71: {  	_ =	shalt  }
0x72: {  	_ =	shalt  }
0x73: {  	_ =	shalt  }
0x74: {  	_ =	shalt  }
0x75: {  	_ =	shalt  }
0x76: {  	_ =	shalt  }
0x77: {  	_ =	shalt  }
0x78: {  	_ =	shalt  }
0x79: {  	_ =	shalt  }
0x7a: {  	_ =	shalt  }
0x7b: {  	_ =	shalt  }
0x7c: {  	_ =	shalt  }
0x7d: {  	_ =	shalt  }
0x7e: {  	_ =	shalt  }
0x7f: {  	_ =	shalt  }
0x80: {  	_ =	shalt  }
0x81: {  	_ =	shalt  }
0x82: {  	_ =	shalt  }
0x83: {  	_ =	shalt  }
0x84: {  	_ =	shalt  }
0x85: {  	_ =	shalt  }
0x86: {  	_ =	shalt  }
0x87: {  	_ =	shalt  }
.Lfunc_end0:
.L_simem_size_0:
called_computation_lowered:
.L_overlay_start_0:
0x88: {  	s2 =	sld [smem:$0x3FD9]  }
0x89: {  	s3 =	sld [smem:$0x3FFE];
	_ =	sdelay $0x1  }
0x8a: {  	s1 =	srdreg.scid  }
0x8b: {  	s0 =	sand.u32 $0x1, s1  }
0x8c: {  	s16 =	sshll.u32 s0, $0xA;
	s2 =	sadd.s32 s3, s2  }
0x8d: {  	s2 =	sadd.s32 s2, s16  }
0x8e: {  	[smem:$0x3FC0] =	sst s2  }
0x8f: {  	_ = 	snop  }
0x90: {  	(tm) =	ssettm $0x1  }
0x91: {  	s17 =	sld [smem:$0x3FFB];
	_ =	sdelay $0x3  }
0x92: {  	_ =	strace s17  }
0x93: {  	s2 =	sld [smem:$0x3FFC];
	_ =	sdelay $0x3  }
0x94: {  	_ =	strace s2  }
0x95: {  	s2 =	sld [smem:$0x3FFD];
	_ =	sdelay $0x3  }
0x96: {  	_ =	strace s2  }
0x97: {  	_ =	strace $0x8FFFFFFF  }
0x98: {  	s18 =	sld [smem:$0x3FDB];
	_ =	sdelay $0x1  }
0x99: {  	s19 =	simm.s32 $_scs_section_size  }
0x9a: {  	s4 =	simm.s32 $_size__tile_overlayer_lowered;
	s5 =	simm.s32 $_tile_overlayer_lowered  }
0x9b: {  	s22 =	simm.s32 $0x1BFF;
	s21 =	sshll.u32 s5, $0x1;
	s2 =	sadd.s32 s19, s18  }
0x9c: {  	s6 =	simm.s32 $0x0;
	s20 =	sshll.u32 s4, $0x1;
	s4 =	sadd.s32 s21, s2  }
0x9d: {  	[timem:s6], [sflag:s22] =	dma.local [hbm:s4], s20  }
0x9e: {  	_ =	swait.ge [sflag:s22], s20  }
0x9f: {  	s3 =	ssub.s32 $0x0, s20;
	[sflag:s22] =	ssyncset.done $0x0  }
0xa0: {  	[sflag:s22] =	ssyncadd.s32 s3;
	_ =	sdelay $0x1  }
0xa1: {  	s23 =	simm.s32 $0x1B8B  }
0xa2: {  	_ =	swait.ge [sflag:s23], $0x1  }
0xa3: {  	[sflag:s23] =	ssyncset.done $0x0  }
0xa4: {  	s25 =	simm.s32 $0x1B8E;
	s24 =	sld [smem:$0x3FFE];
	[sflag:s23] =	ssyncadd.s32 $0xFFFFFFFF  }
0xa5: {  	s26 =	simm.s32 $execute0_lowered;
	[smem:$0x3FD2] =	sst s25  }
0xa6: {  	s4 =	sshll.u32 s26, $0x1;
	_ =	strace $0x80000046;
	[dreg:$0x1] =	wrdreg $0xFFFFFFFF  }
0xa7: {  	s28 =	simm.s32 $_size_execute0_lowered;
	s2 =	sadd.s32 s2, s4;
	[dreg:$0x0] =	wrdreg $0x0  }
0xa8: {  	s4 =	sshll.u32 s28, $0x1;
	[dreg:$0x2] =	wrdreg s2  }
0xa9: {  	[dreg:$0x3] =	wrdreg s4  }
0xaa: {  	[dreg:$0x4] =	wrdreg $0xC0  }
0xab: {  	_ =	task [dreg:s6], $0x5FFFF  }
0xac: {  	[dreg:$0x1] =	wrdreg $0xFFFFFFFF  }
0xad: {  	[dreg:$0x0] =	wrdreg $0x60  }
0xae: {  	[dreg:$0x2] =	wrdreg s24  }
0xaf: {  	[dreg:$0x3] =	wrdreg $0x0  }
0xb0: {  	[dreg:$0x4] =	wrdreg $0x9  }
0xb1: {  	_ =	task.clear_ibuf [dreg:s6], $0x5FFFF;
	_ =	strace $0x90000046  }
0xb2: {  	s29 =	simm.s32 $0x9;
	_ =	strace $0x80000048  }
0xb3: {  	_ =	swait.ge [sflag:s29], $0x1  }
0xb4: {  	[sflag:s29] =	ssyncadd.s32 $0xFFFFFFFF  }
0xb5: {  	_ =	strace $0x90000048  }
0xb6: {  	_ =	sfence  }
0xb7: {  	s30 =	sld [smem:$0x0];
	_ =	sdelay $0x2  }
0xb8: {  	s31 =	sshll.u32 s1, $0xD;
	s1 =	sshrl.u32 s1, $0x2  }
0xb9: {  	s3 =	sand.u32 $0x4000, s31;
	s1 =	sadd.s32 s1, s30  }
0xba: {  	s0 =	sor.u32 s3, s0;
	s1 =	sshll.u32 s1, $0x11  }
0xbb: {  	s0 =	sor.u32 s1, s0  }
0xbc: {  	s0 =	sadd.s32 $0x8F2B, s0  }
0xbd: {  	[sflag:s0] =	ssyncadd.remote.s32 $0x1  }
0xbe: {  	_ =	sfence.sel $0xFFFF  }
0xbf: {  	[dreg:$0x0] =	wrdreg $0xFFFFFFFF;
	(pc) =	sbr.abs _section_cstart, $3  }
0xc0: {  	[dreg:$0x1] =	wrdreg $0xFFFFFFFF  }
0xc1: {  	_ =	task.clear_ibuf [dreg:s6], $0x2FFFF;
	_ =	strace $0x9FFFFFFF  }
0xc2: {  	(tm) =	ssettm $0x7FFFFFFF  }
0xc3: {  	_ =	shalt  }
tec
execute0_lowered:
.L_overlay_start_1:
0x0: {  	(tag) =	ssettag $0x1  }
0x1: {  	s1 =	srdreg.scid  }
0x2: {  	s0 =	stileid.u32;
	s6 =	rddreg [dreg:$0x0]  }
0x3: {  	s2 =	rddreg [dreg:$0x1];
	s3 =	simm.s32 $0x0;
	s13 =	simm.s32 $0x40  }
0x4: {  	s16 =	simm.s32 $0x1AF00;
	s17 =	simm.s32 $0x14100;
	s19 =	simm.s32 $0x2  }
0x5: {  	s18 =	simm.s32 $0x1CF00;
	s5 =	sand.u32 $0x1, s1;
	s26 =	sshll.u32 s0, $0x1  }
0x6: {  	s8 =	smul.u32 $0x14000, s0;
	[smem:$0x7FF] =	sst s3;
	s4 =	sadd.s32 $0x15600, s6  }
0x7: {  	s28 =	smul.u32 $0x50000, s0;
	s31 =	sshll.u32 s0, $0x6;
	s1 =	sor.u32 s5, s26  }
0x8: {  	s9 =	smul.u32 $0x140000, s5;
	_ =	strace $0x80000047;
	s5 =	ssub.s32 $0x2, s5  }
0x9: {  	[dreg:$0x3] =	wrdreg s19;
	s19 =	simm.s32 $0x0;
	s7 =	smul.u32 $0x9E0, s1  }
0xa: {  	s10 =	sshrl.u32 s8, $0x3;
	s29 =	sshrl.u32 s5, $0x1;
	s30 =	sshrl.u32 s28, $0x2  }
0xb: {  	s8 =	sadd.s32 s8, s9;
	s10 =	sadd.s32 s10, s6;
	s11 =	ssub.s32 s5, s29  }
0xc: {  	s12 =	sadd.s32 s30, s2;
	s7 =	sadd.s32 s7, s6;
	s8 =	sshrl.u32 s8, $0x3  }
0xd: {  	s5 =	sadd.s32 $0x3D600, s10;
	s9 =	smax.u32 s11, $0x1;
	s10 =	sshrl.u32 s12, $0x3  }
0xe: {  	s11 =	simm.s32 $0x4;
	s12 =	simm.s32 $0x14000;
	s8 =	sadd.s32 s8, s6  }
0xf: {  	s6 =	sor.u32 $0x1C04, s31;
	s7 =	sadd.s32 $0x1A00, s7;
	s8 =	sadd.s32 $0x65600, s8  }
.LBB2_1:
0x10: {  	[spmem:s10], [sflag:s6] =	dma.local [hbm:s5], $0x2800  }
0x11: {  	_ =	swait.ge [sflag:s11], $0x2800  }
0x12: {  	[sflag:s11] =	ssyncset.done $0x0  }
0x13: {  	s0 =	simm.s32 $0x18F00;
	s26 =	simm.s32 $0x14040;
	[sflag:s11] =	ssyncadd.s32 $0xFFFFD800  }
0x14: {  	s20 =	smul.u32 $0xAB, s3;
	s24 =	sand.u32 $0x40, s3;
	[bflag:$0x0] =	sbarrier.arrive $0xFFFF  }
0x15: {  	[tilespmem:s12], [sflag:$0x4] =	stream.linear.gather [hbm4b:s7+s3], $0x4F00, $0x38;
	[tilespmem:$0x1EF00] =	vst v63  }
0x16: {  	s22 =	simm.s32 $0x40;
	s20 =	sshrl.u32 s20, $0x9;
	_ =	swait.ge [sflag:s11], $0x4F00  }
0x17: {  	p1 =	por $0x0, $0x0;
	s21 =	sand.u32 $0x7F, s20;
	[sflag:s11] =	ssyncset.done $0x0  }
0x18: {  	s28 =	sand.u32 $0x1FC00, s3;
	s23 =	smul.u32 $0x3, s21;
	[sflag:s11] =	ssyncadd.s32 $0xFFFFB100  }
0x19: {  	[tilespmem:s0], [sflag:$0x1] =	stream.indirect.gather [hbm4b:s4+s13], $0x80, s12, s13, $0xb8;
	[tilespmem:$0x1EF00] =	vst v63  }
0x1a: {  	s31 =	sshrl.u32 s28, $0x2;
	s20 =	simm.s32 $0x1;
	s23 =	ssub.s32 $0x0, s23  }
0x1b: {  	[tilespmem:s16], [sflag:$0x2] =	stream.indirect.gather [hbm4b:s4+s13], $0x80, s26, s13, $0xb8;
	[tilespmem:$0x1EF00] =	vst v63  }
0x1c: {  	s21 =	simm.s32 $0x200;
	s25 =	rddreg [dreg:$0x3];
	s26 =	sand.u32 $0xFF, s23  }
0x1d: {  	s23 =	sand.u32 @!p1 $0xFF, s23;
	p2 =	seq.s32 s26, $0x0;
	p3 =	seq.s32 s26, $0x1  }
0x1e: {  	[tilespmem:s18], [sflag:$0x3] =	stream.indirect.gather [hbm4b:s4+s13], $0x80, s17, s13, $0xb8;
	[tilespmem:$0x1EF00] =	vst v63  }
0x1f: {  	p0 =	sne.s32 @!p1 s23, $0x1;
	s26 =	sshll.u32 s26, $0xD;
	s25 =	simm.s32 @!p3 $0x3  }
0x20: {  	p4 =	por !p2, !p2;
	p0 =	por p0, p1;
	s26 =	sor.u32 $0x18F00, s26  }
0x21: {  	s25 =	simm.s32 @p2 $0x1;
	p4 =	por @!p3 p2, p2;
	p3 =	sne.s32 @!p1 s23, $0x0  }
0x22: {  	s23 =	simm.s32 @!p0 $0x1AF00;
	s29 =	simm.s32 @!p0 $0xC0;
	p2 =	por !p4, !p4  }
0x23: {  	_ =	swait.ge [sflag:s25], $0x2000;
	p3 =	por p3, p1;
	s29 =	sand.u32 @!p0 $0x40, s29  }
0x24: {  	[sflag:s25] =	ssyncset.done $0x0;
	p2 =	por !p2, !p2;
	s28 =	simm.s32 @!p3 $0x600  }
0x25: {  	s30 =	simm.s32 @!p3 $0xC0;
	[sflag:s25] =	ssyncadd.s32 $0xFFFFE000;
	s25 =	sor.u32 s24, s31  }
0x26: {  	p1 =	por p1, p2;
	s28 =	sand.u32 @!p3 $0x3FC00, s28;
	s25 =	sadd.s32 $0x14080, s25  }
0x27: {  	[spmem:s2] =	stream.indirect.scatter.add.f32 [tilespmem:s26], [sflag:$0x4], $0x80, s25, s13, $0xb8;
	[tilespmem:$0x1EF00] =	vst v63  }
0x28: {  	s24 =	simm.s32 @!p3 $0x18F00;
	s28 =	sshrl.u32 @!p3 s28, $0x2;
	s25 =	simm.s32 @!p1 $0x600  }
0x29: {  	s26 =	sand.u32 @!p3 $0x40, s30;
	s30 =	simm.s32 @!p0 $0x600;
	s25 =	sand.u32 @!p1 $0x3FC00, s25  }
0x2a: {  	s28 =	sor.u32 @!p3 s26, s28;
	s26 =	simm.s32 @!p1 $0xC0;
	s30 =	sand.u32 @!p0 $0x3FC00, s30  }
0x2b: {  	_ =	swait.ge [sflag:s11], $0x2000;
	s30 =	sshrl.u32 @!p0 s30, $0x2;
	s26 =	sand.u32 @!p1 $0x40, s26  }
.LBB2_2:
0x2c: {  	[sflag:s11] =	ssyncset.done $0x0  }
0x2d: {  	s28 =	sadd.s32 @!p3 $0x14000, s28;
	s29 =	sor.u32 @!p0 s29, s30;
	s30 =	simm.s32 @!p0 $0x40  }
0x2e: {  	s25 =	sshrl.u32 @!p1 s25, $0x2;
	s31 =	simm.s32 @!p3 $0x40;
	[sflag:s11] =	ssyncadd.s32 $0xFFFFE000  }
0x2f: {  	[tilespmem:s24], [sflag:$0x1] =	stream.indirect.gather @!p3 [hbm4b:s4+s31], $0x80, s28, s31, $0xb8;
	[tilespmem:$0x1EF00] =	vst v63  }
0x30: {  	s29 =	sadd.s32 @!p0 $0x14000, s29;
	s25 =	sor.u32 @!p1 s26, s25;
	s31 =	smov.u32 s20  }
0x31: {  	s26 =	simm.s32 @!p1 $0x40;
	s24 =	sadd.s32 @!p1 $0x14000, s25;
	s0 =	smul.u32 $0xAB, s31  }
0x32: {  	[tilespmem:s23], [sflag:$0x2] =	stream.indirect.gather @!p0 [hbm4b:s4+s30], $0x80, s29, s30, $0xb8;
	[tilespmem:$0x1EF00] =	vst v63  }
0x33: {  	s20 =	sadd.s32 $0x1, s20;
	s28 =	simm.s32 @!p1 $0x1CF00;
	s23 =	sshrl.u32 s0, $0x9  }
0x34: {  	[tilespmem:s28], [sflag:$0x3] =	stream.indirect.gather @!p1 [hbm4b:s4+s26], $0x80, s24, s26, $0xb8;
	[tilespmem:$0x1EF00] =	vst v63  }
0x35: {  	p2 =	sne.s32 s20, $0x9E;
	s29 =	rddreg [dreg:$0x3];
	s23 =	sand.u32 $0x7F, s23  }
0x36: {  	s26 =	smov.u32 s21;
	s28 =	smov.u32 s22;
	s23 =	smul.u32 $0x3, s23  }
0x37: {  	s21 =	sadd.s32 $0x200, s21;
	s22 =	sadd.s32 $0x40, s22;
	p1 =	sgt.u32 s31, $0x9A  }
0x38: {  	s1 =	sand.u32 $0x40, s28;
	s30 =	sand.u32 $0x1FC00, s26;
	s23 =	ssub.s32 s31, s23  }
0x39: {  	s15 =	sshrl.u32 s30, $0x2;
	s14 =	sand.u32 $0xFF, s23;
	s23 =	sand.u32 @!p1 $0xFF, s23  }
0x3a: {  	p3 =	seq.s32 s14, $0x0;
	p4 =	seq.s32 s14, $0x1;
	p0 =	sne.s32 @!p1 s23, $0x1  }
0x3b: {  	s25 =	sshll.u32 s14, $0xD;
	s29 =	simm.s32 @!p4 $0x3;
	p5 =	por !p3, !p3  }
0x3c: {  	p0 =	por p0, p1;
	s31 =	sor.u32 $0x18F00, s25;
	s25 =	sor.u32 s1, s15  }
0x3d: {  	s29 =	simm.s32 @p3 $0x1;
	p5 =	por @!p4 p3, p3;
	p4 =	sne.s32 @!p1 s23, $0x0  }
0x3e: {  	s23 =	simm.s32 @!p0 $0x1AF00;
	s0 =	sadd.s32 @!p0 $0x600, s26;
	s14 =	sadd.s32 $0x14080, s25  }
0x3f: {  	p3 =	por !p5, !p5;
	_ =	swait.ge [sflag:s29], $0x2000;
	s0 =	sand.u32 @!p0 $0x3FC00, s0  }
0x40: {  	[sflag:s29] =	ssyncset.done $0x0;
	p5 =	por !p3, !p3;
	p3 =	por p4, p1  }
0x41: {  	[sflag:s29] =	ssyncadd.s32 $0xFFFFE000;
	s29 =	sadd.s32 @!p0 $0xC0, s28;
	s30 =	sadd.s32 @!p3 $0x600, s26  }
0x42: {  	s24 =	simm.s32 @!p3 $0x18F00;
	p1 =	por p1, p5;
	s1 =	sadd.s32 @!p3 $0xC0, s28  }
.Ltmp0:
0x43: {  	s26 =	sadd.s32 @!p1 $0x600, s26;
	s30 =	sand.u32 @!p3 $0x3FC00, s30;
	(pc) =	sbr.rel @p2 .LBB2_2-.Ltmp0, $4  }
0x44: {  	s1 =	sand.u32 @!p3 $0x40, s1;
	s15 =	sadd.s32 @!p1 $0xC0, s28;
	s29 =	sand.u32 @!p0 $0x40, s29  }
0x45: {  	[spmem:s2] =	stream.indirect.scatter.add.f32 [tilespmem:s31], [sflag:$0x4], $0x80, s14, s13, $0xb8;
	[tilespmem:$0x1EF00] =	vst v63  }
0x46: {  	s25 =	sand.u32 @!p1 $0x3FC00, s26;
	s26 =	sshrl.u32 @!p3 s30, $0x2;
	_ =	swait.ge [sflag:s11], $0x2000  }
0x47: {  	s30 =	sshrl.u32 @!p0 s0, $0x2;
	s28 =	sor.u32 @!p3 s1, s26;
	s26 =	sand.u32 @!p1 $0x40, s15  }
0x48: {  	[sflag:s11] =	ssyncset.done $0x0;
	s0 =	sadd.s32 @!p3 $0x14000, s28;
	s1 =	sor.u32 @!p0 s29, s30  }
0x49: {  	s14 =	sshrl.u32 @!p1 s25, $0x2;
	s15 =	simm.s32 @!p3 $0x40;
	[sflag:s11] =	ssyncadd.s32 $0xFFFFE000  }
0x4a: {  	[tilespmem:s24], [sflag:$0x1] =	stream.indirect.gather @!p3 [hbm4b:s4+s15], $0x80, s0, s15, $0xb8;
	[tilespmem:$0x1EF00] =	vst v63  }
0x4b: {  	s14 =	sor.u32 @!p1 s26, s14;
	s0 =	sadd.s32 @!p0 $0x14000, s1;
	s1 =	simm.s32 @!p0 $0x40  }
0x4c: {  	[tilespmem:s23], [sflag:$0x2] =	stream.indirect.gather @!p0 [hbm4b:s4+s1], $0x80, s0, s1, $0xb8;
	[tilespmem:$0x1EF00] =	vst v63  }
0x4d: {  	s19 =	sadd.s32 $0x1, s19;
	s0 =	sadd.s32 @!p1 $0x14000, s14  }
0x4e: {  	s1 =	simm.s32 @!p1 $0x40;
	s14 =	simm.s32 @!p1 $0x1CF00;
	p0 =	sne.s32 s19, s9  }
0x4f: {  	[tilespmem:s14], [sflag:$0x3] =	stream.indirect.gather @!p1 [hbm4b:s4+s1], $0x80, s0, s1, $0xb8;
	[tilespmem:$0x1EF00] =	vst v63  }
.Ltmp1:
0x50: {  	[bflag:$0x0] =	sbarrier.arrive $0xFFFF;
	(pc) =	sbr.rel @p0 .LBB2_1-.Ltmp1, $4  }
0x51: {  	[hbm:s8], [sflag:s6] =	dma.local [spmem:s10], $0x2800  }
0x52: {  	_ =	swait.ge [sflag:s11], $0x2800  }
0x53: {  	[sflag:s11] =	ssyncset.done $0x0  }
0x54: {  	[sflag:s11] =	ssyncadd.s32 $0xFFFFD800  }
0x55: {  	_ =	sfence.sel $0x180000  }
0x56: {  	[bflag:$0x0] =	sbarrier.arrive $0xFFFF  }
0x57: {  	_ =	strace $0x90000047  }
0x58: {  	s0 =	stileid.u32;
	[bflag:$0x2] =	sbarrier.arrive $0xFFFF  }
0x59: {  	p0 =	sne.s32 s0, $0x0;
	s0 =	rddreg [dreg:$0x2]  }
0x5a: {  	s0 =	sadd.s32 @!p0 $0x100000, s0  }
0x5b: {  	[sflag:s0] =	ssyncadd.tile.s32 @!p0 $0x1;
	_ =	shalt  }
.Lfunc_end2:
_tile_overlayer_lowered:
.L_overlay_start_2:
0x5c: {  	(tag) =	ssettag $0x2  }
0x5d: {  	s0 =	rddreg [dreg:$0x0];
	s2 =	stileid.u32  }
0x5e: {  	s1 =	rddreg [dreg:$0x1];
	p0 =	sne.s32 s2, $0x0  }
0x5f: {  	s3 =	rddreg [dreg:$0x2];
	[bflag:$0x3] =	sbarrier.arrive $0xFFFF;
	s2 =	simm.s32 @!p0 $0x1C04  }
0x60: {  	[timem:s3], [sflag:s2] =	dma.local @!p0 [hbm:s0], s1  }
0x61: {  	s0 =	simm.s32 @!p0 $0x4  }
0x62: {  	_ =	swait.ge @!p0 [sflag:s0], s1  }
0x63: {  	s1 =	ssub.s32 @!p0 $0x0, s1;
	[sflag:s0] =	ssyncset.done @!p0 $0x0  }
0x64: {  	[sflag:s0] =	ssyncadd.s32 @!p0 s1  }
0x65: {  	[bflag:$0x3] =	sbarrier.arrive $0xFFFF  }
0x66: {  	_ =	shalt  }

</sc_bundles>
